<compile_context>
chip_gen: v7x
topology: tpu7x:2x2x1
jax: 0.10.2.dev20260603
libtpu: 0.0.44.dev20260713+nightly
codegen_flags: <defaults>
</compile_context>

<pallas_src>
import functools

import jax
import jax.numpy as jnp
from jax import lax
from jax.experimental import pallas as pl
from jax.experimental.pallas import tpu as pltpu
from jax.experimental.pallas import tpu_sc as plsc

NUM_ASSETS = 100
SUB_SIZE = 1000
VOCAB = NUM_ASSETS * SUB_SIZE
EMBED_DIM = 32
BATCH = 16384

_LANES = 16
_ICHUNK = 4096
_NROUNDS = BATCH // _ICHUNK
_OCHUNK = 4096


def _body(asset_hbm, shape_hbm, tablet_hbm, out_hbm,
          row_v, a0_v, s0_v, a1_v, s1_v, o0_v, o1_v,
          row_sem, isem0, isem1, osem0, osem1):
    c = lax.axis_index("s") * 2 + lax.axis_index("c")

    abufs = ((a0_v, s0_v), (a1_v, s1_v))
    isems = (isem0, isem1)

    def start_round(r):
        a_v, s_v = abufs[r % 2]
        sem = isems[r % 2]
        b0 = r * _ICHUNK
        return (pltpu.async_copy(asset_hbm.at[pl.ds(b0, _ICHUNK)], a_v, sem),
                pltpu.async_copy(shape_hbm.at[pl.ds(b0, _ICHUNK)], s_v, sem))

    in_pending = start_round(0)
    row_copy = pltpu.async_copy(tablet_hbm.at[c], row_v, row_sem)
    row_copy.wait()

    obufs = (o0_v, o1_v)
    osems = (osem0, osem1)
    out_pending = [None, None]

    for r in range(_NROUNDS):
        a_v, s_v = abufs[r % 2]
        for cp in in_pending:
            cp.wait()
        in_pending = start_round(r + 1) if r + 1 < _NROUNDS else ()

        for ch in range(_ICHUNK // _OCHUNK):
            slot = (r * (_ICHUNK // _OCHUNK) + ch) % 2
            buf = obufs[slot]
            if out_pending[slot] is not None:
                out_pending[slot].wait()
            cbase = ch * _OCHUNK

            @plsc.parallel_loop(0, _OCHUNK // _LANES, unroll=16)
            def _gather(i, _cbase=cbase, _buf=buf, _a=a_v, _s=s_v):
                off = _cbase + i * _LANES
                idx = (_a[pl.ds(off, _LANES)] * SUB_SIZE
                       + _s[pl.ds(off, _LANES)])
                _buf[pl.ds(i * _LANES, _LANES)] = plsc.load_gather(row_v, [idx])

            out_pending[slot] = pltpu.async_copy(
                buf, out_hbm.at[c, pl.ds(r * _ICHUNK + cbase, _OCHUNK)],
                osems[slot])

    out_pending[0].wait()
    out_pending[1].wait()


def kernel(asset_index, shape_index, table):
    tablet = table.T
    mesh = plsc.VectorSubcoreMesh(core_axis_name="c", subcore_axis_name="s")
    run = functools.partial(
        pl.kernel,
        mesh=mesh,
        out_type=jax.ShapeDtypeStruct((EMBED_DIM, BATCH), jnp.float32),
        scratch_types=[
            pltpu.VMEM((VOCAB,), jnp.float32),
            pltpu.VMEM((_ICHUNK,), jnp.int32),
            pltpu.VMEM((_ICHUNK,), jnp.int32),
            pltpu.VMEM((_ICHUNK,), jnp.int32),
            pltpu.VMEM((_ICHUNK,), jnp.int32),
            pltpu.VMEM((_OCHUNK,), jnp.float32),
            pltpu.VMEM((_OCHUNK,), jnp.float32),
            pltpu.SemaphoreType.DMA,
            pltpu.SemaphoreType.DMA,
            pltpu.SemaphoreType.DMA,
            pltpu.SemaphoreType.DMA,
            pltpu.SemaphoreType.DMA,
        ],
        compiler_params=pltpu.CompilerParams(needs_layout_passes=False),
    )(_body)
    return run(asset_index, shape_index, tablet).T

# --- scband reference (transcript-rebuilt; emitter-appended) ---
"""Pipeline reference for scband-double-embedding-89885075570776 (READ-ONLY COPY).

The authoritative reference and input builder live on the scoring server;
editing this copy changes nothing except your own understanding.
"""

import jax, jax.numpy as jnp
import numpy as np

NUM_ASSETS = 100
SUB_SIZE = 1000
VOCAB = NUM_ASSETS * SUB_SIZE  # 100000
EMBED_DIM = 32
BATCH = 16384


def setup_inputs(seed: int = 0) -> dict:
    key = jax.random.key(seed)
    k1, k2, k3 = jax.random.split(key, 3)
    asset_index = jax.random.randint(k1, (BATCH,), 0, NUM_ASSETS, dtype=jnp.int32)
    shape_index = jax.random.randint(k2, (BATCH,), 0, SUB_SIZE, dtype=jnp.int32)
    table = jax.random.normal(k3, (VOCAB, EMBED_DIM), dtype=jnp.float32)
    return {"asset_index": asset_index, "shape_index": shape_index, "table": table}


def reference(asset_index, shape_index, table):
    # sub_embedding_sizes: every asset id 0..99 maps to sub-table of size 1000
    sub_sizes = jnp.full((NUM_ASSETS,), SUB_SIZE, dtype=jnp.int32)
    offsets = jnp.concatenate([jnp.zeros((1,), jnp.int32), jnp.cumsum(sub_sizes[:-1]).astype(jnp.int32)], axis=0)
    indices = offsets[asset_index] + shape_index
    embedding = jnp.take(table, indices, axis=0)
    return embedding

if __name__ == "__main__":
    import jax
    _d = setup_inputs()
    print(jax.jit(kernel)(*tuple(_d.values())))

</pallas_src>

<mosaic_0001>
#map = affine_map<(d0, d1) -> (0)>
#map1 = affine_map<(d0, d1) -> (0, 0)>
module attributes {stable_mosaic.version = 14 : i64} {
  func.func @_body(%arg0: i32, %arg1: i32, %arg2: memref<16384xi32, #tpu.memory_space<hbm>>, %arg3: memref<16384xi32, #tpu.memory_space<hbm>>, %arg4: memref<32x100000xf32, #tpu.memory_space<hbm>>, %arg5: memref<32x16384xf32, #tpu.memory_space<hbm>>, %arg6: memref<100000xf32, #tpu.memory_space<vmem>>, %arg7: memref<4096xi32, #tpu.memory_space<vmem>>, %arg8: memref<4096xi32, #tpu.memory_space<vmem>>, %arg9: memref<4096xi32, #tpu.memory_space<vmem>>, %arg10: memref<4096xi32, #tpu.memory_space<vmem>>, %arg11: memref<4096xf32, #tpu.memory_space<vmem>>, %arg12: memref<4096xf32, #tpu.memory_space<vmem>>, %arg13: memref<!tpu.dma_semaphore, #tpu.memory_space<semaphore_mem>>, %arg14: memref<!tpu.dma_semaphore, #tpu.memory_space<semaphore_mem>>, %arg15: memref<!tpu.dma_semaphore, #tpu.memory_space<semaphore_mem>>, %arg16: memref<!tpu.dma_semaphore, #tpu.memory_space<semaphore_mem>>, %arg17: memref<!tpu.dma_semaphore, #tpu.memory_space<semaphore_mem>>) attributes {dimension_semantics = [#tpu.dimension_semantics<core_parallel>, #tpu.dimension_semantics<subcore_parallel>], iteration_bounds = array<i64: 2, 16>, scalar_prefetch = 0 : i64, scratch_operands = 12 : i64, tpu.core_type = #tpu.core_type<sc_vector_subcore>, window_params = [{transform_indices = #map}, {transform_indices = #map}, {transform_indices = #map1}, {transform_indices = #map1}]} {
    %mul3A = arith.constant 2 : i32
    %mul3A_0 = arith.muli %arg1, %mul3A : i32
    %add3A = arith.addi %mul3A_0, %arg0 : i32
    %dma_start3A = arith.constant 0 : i32
    %dma_start3A_1 = tpu.memref_slice %arg2[%dma_start3A] : memref<16384xi32, #tpu.memory_space<hbm>> -> memref<4096xi32, #tpu.memory_space<hbm>>
    %dma_start3A_2 = arith.constant 0 : i32
    %dma_start3A_3 = tpu.memref_slice %arg2[%dma_start3A_2] : memref<16384xi32, #tpu.memory_space<hbm>> -> memref<4096xi32, #tpu.memory_space<hbm>>
    tpu.enqueue_dma source(%dma_start3A_3 : memref<4096xi32, #tpu.memory_space<hbm>>) target(%arg7 : memref<4096xi32, #tpu.memory_space<vmem>>) target_semaphore(%arg14 : memref<!tpu.dma_semaphore, #tpu.memory_space<semaphore_mem>>)
    %dma_start3A_4 = arith.constant 0 : i32
    %dma_start3A_5 = tpu.memref_slice %arg3[%dma_start3A_4] : memref<16384xi32, #tpu.memory_space<hbm>> -> memref<4096xi32, #tpu.memory_space<hbm>>
    %dma_start3A_6 = arith.constant 0 : i32
    %dma_start3A_7 = tpu.memref_slice %arg3[%dma_start3A_6] : memref<16384xi32, #tpu.memory_space<hbm>> -> memref<4096xi32, #tpu.memory_space<hbm>>
    tpu.enqueue_dma source(%dma_start3A_7 : memref<4096xi32, #tpu.memory_space<hbm>>) target(%arg8 : memref<4096xi32, #tpu.memory_space<vmem>>) target_semaphore(%arg14 : memref<!tpu.dma_semaphore, #tpu.memory_space<semaphore_mem>>)
    %dma_start3A_8 = arith.constant 0 : i32
    %dma_start3A_9 = tpu.memref_slice %arg4[%add3A, %dma_start3A_8] : memref<32x100000xf32, #tpu.memory_space<hbm>> -> memref<1x100000xf32, #tpu.memory_space<hbm>>
    %dma_start3A_10 = tpu.memref_squeeze %dma_start3A_9 : memref<1x100000xf32, #tpu.memory_space<hbm>> -> memref<100000xf32, #tpu.memory_space<hbm>>
    %dma_start3A_11 = arith.constant 0 : i32
    %dma_start3A_12 = tpu.memref_slice %arg4[%add3A, %dma_start3A_11] : memref<32x100000xf32, #tpu.memory_space<hbm>> -> memref<1x100000xf32, #tpu.memory_space<hbm>>
    %dma_start3A_13 = tpu.memref_squeeze %dma_start3A_12 : memref<1x100000xf32, #tpu.memory_space<hbm>> -> memref<100000xf32, #tpu.memory_space<hbm>>
    tpu.enqueue_dma source(%dma_start3A_13 : memref<100000xf32, #tpu.memory_space<hbm>>) target(%arg6 : memref<100000xf32, #tpu.memory_space<vmem>>) target_semaphore(%arg13 : memref<!tpu.dma_semaphore, #tpu.memory_space<semaphore_mem>>)
    %dma_wait3A = arith.constant 0 : i32
    %dma_wait3A_14 = tpu.memref_slice %arg4[%add3A, %dma_wait3A] : memref<32x100000xf32, #tpu.memory_space<hbm>> -> memref<1x100000xf32, #tpu.memory_space<hbm>>
    %dma_wait3A_15 = tpu.memref_squeeze %dma_wait3A_14 : memref<1x100000xf32, #tpu.memory_space<hbm>> -> memref<100000xf32, #tpu.memory_space<hbm>>
    %dma_wait3A_16 = arith.constant 0 : i32
    %dma_wait3A_17 = tpu.memref_slice %arg4[%add3A, %dma_wait3A_16] : memref<32x100000xf32, #tpu.memory_space<hbm>> -> memref<1x100000xf32, #tpu.memory_space<hbm>>
    %dma_wait3A_18 = tpu.memref_squeeze %dma_wait3A_17 : memref<1x100000xf32, #tpu.memory_space<hbm>> -> memref<100000xf32, #tpu.memory_space<hbm>>
    tpu.wait_dma2 semaphore(%arg13 : memref<!tpu.dma_semaphore, #tpu.memory_space<semaphore_mem>>) src(%dma_wait3A_18 : memref<100000xf32, #tpu.memory_space<hbm>>) dst(%arg6 : memref<100000xf32, #tpu.memory_space<vmem>>)
    %dma_wait3A_19 = arith.constant 0 : i32
    %dma_wait3A_20 = tpu.memref_slice %arg2[%dma_wait3A_19] : memref<16384xi32, #tpu.memory_space<hbm>> -> memref<4096xi32, #tpu.memory_space<hbm>>
    %dma_wait3A_21 = arith.constant 0 : i32
    %dma_wait3A_22 = tpu.memref_slice %arg2[%dma_wait3A_21] : memref<16384xi32, #tpu.memory_space<hbm>> -> memref<4096xi32, #tpu.memory_space<hbm>>
    tpu.wait_dma2 semaphore(%arg14 : memref<!tpu.dma_semaphore, #tpu.memory_space<semaphore_mem>>) src(%dma_wait3A_22 : memref<4096xi32, #tpu.memory_space<hbm>>) dst(%arg7 : memref<4096xi32, #tpu.memory_space<vmem>>)
    %dma_wait3A_23 = arith.constant 0 : i32
    %dma_wait3A_24 = tpu.memref_slice %arg3[%dma_wait3A_23] : memref<16384xi32, #tpu.memory_space<hbm>> -> memref<4096xi32, #tpu.memory_space<hbm>>
    %dma_wait3A_25 = arith.constant 0 : i32
    %dma_wait3A_26 = tpu.memref_slice %arg3[%dma_wait3A_25] : memref<16384xi32, #tpu.memory_space<hbm>> -> memref<4096xi32, #tpu.memory_space<hbm>>
    tpu.wait_dma2 semaphore(%arg14 : memref<!tpu.dma_semaphore, #tpu.memory_space<semaphore_mem>>) src(%dma_wait3A_26 : memref<4096xi32, #tpu.memory_space<hbm>>) dst(%arg8 : memref<4096xi32, #tpu.memory_space<vmem>>)
    %dma_start3A_27 = arith.constant 4096 : i32
    %dma_start3A_28 = tpu.memref_slice %arg2[%dma_start3A_27] : memref<16384xi32, #tpu.memory_space<hbm>> -> memref<4096xi32, #tpu.memory_space<hbm>>
    %dma_start3A_29 = arith.constant 4096 : i32
    %dma_start3A_30 = tpu.memref_slice %arg2[%dma_start3A_29] : memref<16384xi32, #tpu.memory_space<hbm>> -> memref<4096xi32, #tpu.memory_space<hbm>>
    tpu.enqueue_dma source(%dma_start3A_30 : memref<4096xi32, #tpu.memory_space<hbm>>) target(%arg9 : memref<4096xi32, #tpu.memory_space<vmem>>) target_semaphore(%arg15 : memref<!tpu.dma_semaphore, #tpu.memory_space<semaphore_mem>>)
    %dma_start3A_31 = arith.constant 4096 : i32
    %dma_start3A_32 = tpu.memref_slice %arg3[%dma_start3A_31] : memref<16384xi32, #tpu.memory_space<hbm>> -> memref<4096xi32, #tpu.memory_space<hbm>>
    %dma_start3A_33 = arith.constant 4096 : i32
    %dma_start3A_34 = tpu.memref_slice %arg3[%dma_start3A_33] : memref<16384xi32, #tpu.memory_space<hbm>> -> memref<4096xi32, #tpu.memory_space<hbm>>
    tpu.enqueue_dma source(%dma_start3A_34 : memref<4096xi32, #tpu.memory_space<hbm>>) target(%arg10 : memref<4096xi32, #tpu.memory_space<vmem>>) target_semaphore(%arg15 : memref<!tpu.dma_semaphore, #tpu.memory_space<semaphore_mem>>)
    %parallel_loop3A = arith.constant 0 : i32
    %parallel_loop3A_35 = arith.constant 256 : i32
    %parallel_loop3A_36 = arith.constant 1 : i32
    scf.for %parallel_loop3A_134 = %parallel_loop3A to %parallel_loop3A_35 step %parallel_loop3A_36  : i32 {
      %parallel_loop3A_135 = arith.constant 16 : i32
      %parallel_loop3A_136 = arith.muli %parallel_loop3A_134, %parallel_loop3A_135 : i32
      %parallel_loop3A_137 = arith.constant 0 : i32
      %parallel_loop3A_138 = arith.addi %parallel_loop3A_137, %parallel_loop3A_136 : i32
      %parallel_loop3A_139 = arith.index_cast %parallel_loop3A_138 : i32 to index
      %parallel_loop3A_140 = tpu.vector_load %arg7[%parallel_loop3A_139] {strides = array<i32>} : memref<4096xi32, #tpu.memory_space<vmem>>, vector<16xi32>,
      %parallel_loop3A_141 = arith.constant 1000 : i32
      %parallel_loop3A_142 = vector.broadcast %parallel_loop3A_141 : i32 to vector<16xi32>
      %parallel_loop3A_143 = arith.muli %parallel_loop3A_140, %parallel_loop3A_142 : vector<16xi32>
      %parallel_loop3A_144 = arith.index_cast %parallel_loop3A_138 : i32 to index
      %parallel_loop3A_145 = tpu.vector_load %arg8[%parallel_loop3A_144] {strides = array<i32>} : memref<4096xi32, #tpu.memory_space<vmem>>, vector<16xi32>,
      %parallel_loop3A_146 = arith.addi %parallel_loop3A_143, %parallel_loop3A_145 : vector<16xi32>
      %parallel_loop3A_147 = tpu.vector_load_idx %arg6[%parallel_loop3A_146] : memref<100000xf32, #tpu.memory_space<vmem>>[vector<16xi32>], vector<16xf32>,
      %parallel_loop3A_148 = arith.constant 16 : i32
      %parallel_loop3A_149 = arith.muli %parallel_loop3A_134, %parallel_loop3A_148 : i32
      %parallel_loop3A_150 = arith.index_cast %parallel_loop3A_149 : i32 to index
      %parallel_loop3A_151 = tpu.vector_load %arg11[%parallel_loop3A_150] {strides = array<i32>} : memref<4096xf32, #tpu.memory_space<vmem>>, vector<16xf32>,
      tpu.vector_store %arg11[%parallel_loop3A_150], %parallel_loop3A_147 {strides = array<i32>} : memref<4096xf32, #tpu.memory_space<vmem>>, vector<16xf32>,
    } {sc.loop_unroll_factor = 16 : i64, sc.parallel_access}
    %dma_start3A_37 = arith.constant 0 : i32
    %dma_start3A_38 = tpu.memref_slice %arg5[%add3A, %dma_start3A_37] : memref<32x16384xf32, #tpu.memory_space<hbm>> -> memref<1x4096xf32, #tpu.memory_space<hbm>>
    %dma_start3A_39 = tpu.memref_squeeze %dma_start3A_38 : memref<1x4096xf32, #tpu.memory_space<hbm>> -> memref<4096xf32, #tpu.memory_space<hbm>>
    %dma_start3A_40 = arith.constant 0 : i32
    %dma_start3A_41 = tpu.memref_slice %arg5[%add3A, %dma_start3A_40] : memref<32x16384xf32, #tpu.memory_space<hbm>> -> memref<1x4096xf32, #tpu.memory_space<hbm>>
    %dma_start3A_42 = tpu.memref_squeeze %dma_start3A_41 : memref<1x4096xf32, #tpu.memory_space<hbm>> -> memref<4096xf32, #tpu.memory_space<hbm>>
    tpu.enqueue_dma source(%arg11 : memref<4096xf32, #tpu.memory_space<vmem>>) target(%dma_start3A_42 : memref<4096xf32, #tpu.memory_space<hbm>>) target_semaphore(%arg16 : memref<!tpu.dma_semaphore, #tpu.memory_space<semaphore_mem>>)
    %dma_wait3A_43 = arith.constant 4096 : i32
    %dma_wait3A_44 = tpu.memref_slice %arg2[%dma_wait3A_43] : memref<16384xi32, #tpu.memory_space<hbm>> -> memref<4096xi32, #tpu.memory_space<hbm>>
    %dma_wait3A_45 = arith.constant 4096 : i32
    %dma_wait3A_46 = tpu.memref_slice %arg2[%dma_wait3A_45] : memref<16384xi32, #tpu.memory_space<hbm>> -> memref<4096xi32, #tpu.memory_space<hbm>>
    tpu.wait_dma2 semaphore(%arg15 : memref<!tpu.dma_semaphore, #tpu.memory_space<semaphore_mem>>) src(%dma_wait3A_46 : memref<4096xi32, #tpu.memory_space<hbm>>) dst(%arg9 : memref<4096xi32, #tpu.memory_space<vmem>>)
    %dma_wait3A_47 = arith.constant 4096 : i32
    %dma_wait3A_48 = tpu.memref_slice %arg3[%dma_wait3A_47] : memref<16384xi32, #tpu.memory_space<hbm>> -> memref<4096xi32, #tpu.memory_space<hbm>>
    %dma_wait3A_49 = arith.constant 4096 : i32
    %dma_wait3A_50 = tpu.memref_slice %arg3[%dma_wait3A_49] : memref<16384xi32, #tpu.memory_space<hbm>> -> memref<4096xi32, #tpu.memory_space<hbm>>
    tpu.wait_dma2 semaphore(%arg15 : memref<!tpu.dma_semaphore, #tpu.memory_space<semaphore_mem>>) src(%dma_wait3A_50 : memref<4096xi32, #tpu.memory_space<hbm>>) dst(%arg10 : memref<4096xi32, #tpu.memory_space<vmem>>)
    %dma_start3A_51 = arith.constant 8192 : i32
    %dma_start3A_52 = tpu.memref_slice %arg2[%dma_start3A_51] : memref<16384xi32, #tpu.memory_space<hbm>> -> memref<4096xi32, #tpu.memory_space<hbm>>
    %dma_start3A_53 = arith.constant 8192 : i32
    %dma_start3A_54 = tpu.memref_slice %arg2[%dma_start3A_53] : memref<16384xi32, #tpu.memory_space<hbm>> -> memref<4096xi32, #tpu.memory_space<hbm>>
    tpu.enqueue_dma source(%dma_start3A_54 : memref<4096xi32, #tpu.memory_space<hbm>>) target(%arg7 : memref<4096xi32, #tpu.memory_space<vmem>>) target_semaphore(%arg14 : memref<!tpu.dma_semaphore, #tpu.memory_space<semaphore_mem>>)
    %dma_start3A_55 = arith.constant 8192 : i32
    %dma_start3A_56 = tpu.memref_slice %arg3[%dma_start3A_55] : memref<16384xi32, #tpu.memory_space<hbm>> -> memref<4096xi32, #tpu.memory_space<hbm>>
    %dma_start3A_57 = arith.constant 8192 : i32
    %dma_start3A_58 = tpu.memref_slice %arg3[%dma_start3A_57] : memref<16384xi32, #tpu.memory_space<hbm>> -> memref<4096xi32, #tpu.memory_space<hbm>>
    tpu.enqueue_dma source(%dma_start3A_58 : memref<4096xi32, #tpu.memory_space<hbm>>) target(%arg8 : memref<4096xi32, #tpu.memory_space<vmem>>) target_semaphore(%arg14 : memref<!tpu.dma_semaphore, #tpu.memory_space<semaphore_mem>>)
    %parallel_loop3A_59 = arith.constant 0 : i32
    %parallel_loop3A_60 = arith.constant 256 : i32
    %parallel_loop3A_61 = arith.constant 1 : i32
    scf.for %parallel_loop3A_134 = %parallel_loop3A_59 to %parallel_loop3A_60 step %parallel_loop3A_61  : i32 {
      %parallel_loop3A_135 = arith.constant 16 : i32
      %parallel_loop3A_136 = arith.muli %parallel_loop3A_134, %parallel_loop3A_135 : i32
      %parallel_loop3A_137 = arith.constant 0 : i32
      %parallel_loop3A_138 = arith.addi %parallel_loop3A_137, %parallel_loop3A_136 : i32
      %parallel_loop3A_139 = arith.index_cast %parallel_loop3A_138 : i32 to index
      %parallel_loop3A_140 = tpu.vector_load %arg9[%parallel_loop3A_139] {strides = array<i32>} : memref<4096xi32, #tpu.memory_space<vmem>>, vector<16xi32>,
      %parallel_loop3A_141 = arith.constant 1000 : i32
      %parallel_loop3A_142 = vector.broadcast %parallel_loop3A_141 : i32 to vector<16xi32>
      %parallel_loop3A_143 = arith.muli %parallel_loop3A_140, %parallel_loop3A_142 : vector<16xi32>
      %parallel_loop3A_144 = arith.index_cast %parallel_loop3A_138 : i32 to index
      %parallel_loop3A_145 = tpu.vector_load %arg10[%parallel_loop3A_144] {strides = array<i32>} : memref<4096xi32, #tpu.memory_space<vmem>>, vector<16xi32>,
      %parallel_loop3A_146 = arith.addi %parallel_loop3A_143, %parallel_loop3A_145 : vector<16xi32>
      %parallel_loop3A_147 = tpu.vector_load_idx %arg6[%parallel_loop3A_146] : memref<100000xf32, #tpu.memory_space<vmem>>[vector<16xi32>], vector<16xf32>,
      %parallel_loop3A_148 = arith.constant 16 : i32
      %parallel_loop3A_149 = arith.muli %parallel_loop3A_134, %parallel_loop3A_148 : i32
      %parallel_loop3A_150 = arith.index_cast %parallel_loop3A_149 : i32 to index
      %parallel_loop3A_151 = tpu.vector_load %arg12[%parallel_loop3A_150] {strides = array<i32>} : memref<4096xf32, #tpu.memory_space<vmem>>, vector<16xf32>,
      tpu.vector_store %arg12[%parallel_loop3A_150], %parallel_loop3A_147 {strides = array<i32>} : memref<4096xf32, #tpu.memory_space<vmem>>, vector<16xf32>,
    } {sc.loop_unroll_factor = 16 : i64, sc.parallel_access}
    %dma_start3A_62 = arith.constant 4096 : i32
    %dma_start3A_63 = tpu.memref_slice %arg5[%add3A, %dma_start3A_62] : memref<32x16384xf32, #tpu.memory_space<hbm>> -> memref<1x4096xf32, #tpu.memory_space<hbm>>
    %dma_start3A_64 = tpu.memref_squeeze %dma_start3A_63 : memref<1x4096xf32, #tpu.memory_space<hbm>> -> memref<4096xf32, #tpu.memory_space<hbm>>
    %dma_start3A_65 = arith.constant 4096 : i32
    %dma_start3A_66 = tpu.memref_slice %arg5[%add3A, %dma_start3A_65] : memref<32x16384xf32, #tpu.memory_space<hbm>> -> memref<1x4096xf32, #tpu.memory_space<hbm>>
    %dma_start3A_67 = tpu.memref_squeeze %dma_start3A_66 : memref<1x4096xf32, #tpu.memory_space<hbm>> -> memref<4096xf32, #tpu.memory_space<hbm>>
    tpu.enqueue_dma source(%arg12 : memref<4096xf32, #tpu.memory_space<vmem>>) target(%dma_start3A_67 : memref<4096xf32, #tpu.memory_space<hbm>>) target_semaphore(%arg17 : memref<!tpu.dma_semaphore, #tpu.memory_space<semaphore_mem>>)
    %dma_wait3A_68 = arith.constant 8192 : i32
    %dma_wait3A_69 = tpu.memref_slice %arg2[%dma_wait3A_68] : memref<16384xi32, #tpu.memory_space<hbm>> -> memref<4096xi32, #tpu.memory_space<hbm>>
    %dma_wait3A_70 = arith.constant 8192 : i32
    %dma_wait3A_71 = tpu.memref_slice %arg2[%dma_wait3A_70] : memref<16384xi32, #tpu.memory_space<hbm>> -> memref<4096xi32, #tpu.memory_space<hbm>>
    tpu.wait_dma2 semaphore(%arg14 : memref<!tpu.dma_semaphore, #tpu.memory_space<semaphore_mem>>) src(%dma_wait3A_71 : memref<4096xi32, #tpu.memory_space<hbm>>) dst(%arg7 : memref<4096xi32, #tpu.memory_space<vmem>>)
    %dma_wait3A_72 = arith.constant 8192 : i32
    %dma_wait3A_73 = tpu.memref_slice %arg3[%dma_wait3A_72] : memref<16384xi32, #tpu.memory_space<hbm>> -> memref<4096xi32, #tpu.memory_space<hbm>>
    %dma_wait3A_74 = arith.constant 8192 : i32
    %dma_wait3A_75 = tpu.memref_slice %arg3[%dma_wait3A_74] : memref<16384xi32, #tpu.memory_space<hbm>> -> memref<4096xi32, #tpu.memory_space<hbm>>
    tpu.wait_dma2 semaphore(%arg14 : memref<!tpu.dma_semaphore, #tpu.memory_space<semaphore_mem>>) src(%dma_wait3A_75 : memref<4096xi32, #tpu.memory_space<hbm>>) dst(%arg8 : memref<4096xi32, #tpu.memory_space<vmem>>)
    %dma_start3A_76 = arith.constant 12288 : i32
    %dma_start3A_77 = tpu.memref_slice %arg2[%dma_start3A_76] : memref<16384xi32, #tpu.memory_space<hbm>> -> memref<4096xi32, #tpu.memory_space<hbm>>
    %dma_start3A_78 = arith.constant 12288 : i32
    %dma_start3A_79 = tpu.memref_slice %arg2[%dma_start3A_78] : memref<16384xi32, #tpu.memory_space<hbm>> -> memref<4096xi32, #tpu.memory_space<hbm>>
    tpu.enqueue_dma source(%dma_start3A_79 : memref<4096xi32, #tpu.memory_space<hbm>>) target(%arg9 : memref<4096xi32, #tpu.memory_space<vmem>>) target_semaphore(%arg15 : memref<!tpu.dma_semaphore, #tpu.memory_space<semaphore_mem>>)
    %dma_start3A_80 = arith.constant 12288 : i32
    %dma_start3A_81 = tpu.memref_slice %arg3[%dma_start3A_80] : memref<16384xi32, #tpu.memory_space<hbm>> -> memref<4096xi32, #tpu.memory_space<hbm>>
    %dma_start3A_82 = arith.constant 12288 : i32
    %dma_start3A_83 = tpu.memref_slice %arg3[%dma_start3A_82] : memref<16384xi32, #tpu.memory_space<hbm>> -> memref<4096xi32, #tpu.memory_space<hbm>>
    tpu.enqueue_dma source(%dma_start3A_83 : memref<4096xi32, #tpu.memory_space<hbm>>) target(%arg10 : memref<4096xi32, #tpu.memory_space<vmem>>) target_semaphore(%arg15 : memref<!tpu.dma_semaphore, #tpu.memory_space<semaphore_mem>>)
    %dma_wait3A_84 = arith.constant 0 : i32
    %dma_wait3A_85 = tpu.memref_slice %arg5[%add3A, %dma_wait3A_84] : memref<32x16384xf32, #tpu.memory_space<hbm>> -> memref<1x4096xf32, #tpu.memory_space<hbm>>
    %dma_wait3A_86 = tpu.memref_squeeze %dma_wait3A_85 : memref<1x4096xf32, #tpu.memory_space<hbm>> -> memref<4096xf32, #tpu.memory_space<hbm>>
    %dma_wait3A_87 = arith.constant 0 : i32
    %dma_wait3A_88 = tpu.memref_slice %arg5[%add3A, %dma_wait3A_87] : memref<32x16384xf32, #tpu.memory_space<hbm>> -> memref<1x4096xf32, #tpu.memory_space<hbm>>
    %dma_wait3A_89 = tpu.memref_squeeze %dma_wait3A_88 : memref<1x4096xf32, #tpu.memory_space<hbm>> -> memref<4096xf32, #tpu.memory_space<hbm>>
    tpu.wait_dma2 semaphore(%arg16 : memref<!tpu.dma_semaphore, #tpu.memory_space<semaphore_mem>>) src(%arg11 : memref<4096xf32, #tpu.memory_space<vmem>>) dst(%dma_wait3A_89 : memref<4096xf32, #tpu.memory_space<hbm>>)
    %parallel_loop3A_90 = arith.constant 0 : i32
    %parallel_loop3A_91 = arith.constant 256 : i32
    %parallel_loop3A_92 = arith.constant 1 : i32
    scf.for %parallel_loop3A_134 = %parallel_loop3A_90 to %parallel_loop3A_91 step %parallel_loop3A_92  : i32 {
      %parallel_loop3A_135 = arith.constant 16 : i32
      %parallel_loop3A_136 = arith.muli %parallel_loop3A_134, %parallel_loop3A_135 : i32
      %parallel_loop3A_137 = arith.constant 0 : i32
      %parallel_loop3A_138 = arith.addi %parallel_loop3A_137, %parallel_loop3A_136 : i32
      %parallel_loop3A_139 = arith.index_cast %parallel_loop3A_138 : i32 to index
      %parallel_loop3A_140 = tpu.vector_load %arg7[%parallel_loop3A_139] {strides = array<i32>} : memref<4096xi32, #tpu.memory_space<vmem>>, vector<16xi32>,
      %parallel_loop3A_141 = arith.constant 1000 : i32
      %parallel_loop3A_142 = vector.broadcast %parallel_loop3A_141 : i32 to vector<16xi32>
      %parallel_loop3A_143 = arith.muli %parallel_loop3A_140, %parallel_loop3A_142 : vector<16xi32>
      %parallel_loop3A_144 = arith.index_cast %parallel_loop3A_138 : i32 to index
      %parallel_loop3A_145 = tpu.vector_load %arg8[%parallel_loop3A_144] {strides = array<i32>} : memref<4096xi32, #tpu.memory_space<vmem>>, vector<16xi32>,
      %parallel_loop3A_146 = arith.addi %parallel_loop3A_143, %parallel_loop3A_145 : vector<16xi32>
      %parallel_loop3A_147 = tpu.vector_load_idx %arg6[%parallel_loop3A_146] : memref<100000xf32, #tpu.memory_space<vmem>>[vector<16xi32>], vector<16xf32>,
      %parallel_loop3A_148 = arith.constant 16 : i32
      %parallel_loop3A_149 = arith.muli %parallel_loop3A_134, %parallel_loop3A_148 : i32
      %parallel_loop3A_150 = arith.index_cast %parallel_loop3A_149 : i32 to index
      %parallel_loop3A_151 = tpu.vector_load %arg11[%parallel_loop3A_150] {strides = array<i32>} : memref<4096xf32, #tpu.memory_space<vmem>>, vector<16xf32>,
      tpu.vector_store %arg11[%parallel_loop3A_150], %parallel_loop3A_147 {strides = array<i32>} : memref<4096xf32, #tpu.memory_space<vmem>>, vector<16xf32>,
    } {sc.loop_unroll_factor = 16 : i64, sc.parallel_access}
    %dma_start3A_93 = arith.constant 8192 : i32
    %dma_start3A_94 = tpu.memref_slice %arg5[%add3A, %dma_start3A_93] : memref<32x16384xf32, #tpu.memory_space<hbm>> -> memref<1x4096xf32, #tpu.memory_space<hbm>>
    %dma_start3A_95 = tpu.memref_squeeze %dma_start3A_94 : memref<1x4096xf32, #tpu.memory_space<hbm>> -> memref<4096xf32, #tpu.memory_space<hbm>>
    %dma_start3A_96 = arith.constant 8192 : i32
    %dma_start3A_97 = tpu.memref_slice %arg5[%add3A, %dma_start3A_96] : memref<32x16384xf32, #tpu.memory_space<hbm>> -> memref<1x4096xf32, #tpu.memory_space<hbm>>
    %dma_start3A_98 = tpu.memref_squeeze %dma_start3A_97 : memref<1x4096xf32, #tpu.memory_space<hbm>> -> memref<4096xf32, #tpu.memory_space<hbm>>
    tpu.enqueue_dma source(%arg11 : memref<4096xf32, #tpu.memory_space<vmem>>) target(%dma_start3A_98 : memref<4096xf32, #tpu.memory_space<hbm>>) target_semaphore(%arg16 : memref<!tpu.dma_semaphore, #tpu.memory_space<semaphore_mem>>)
    %dma_wait3A_99 = arith.constant 12288 : i32
    %dma_wait3A_100 = tpu.memref_slice %arg2[%dma_wait3A_99] : memref<16384xi32, #tpu.memory_space<hbm>> -> memref<4096xi32, #tpu.memory_space<hbm>>
    %dma_wait3A_101 = arith.constant 12288 : i32
    %dma_wait3A_102 = tpu.memref_slice %arg2[%dma_wait3A_101] : memref<16384xi32, #tpu.memory_space<hbm>> -> memref<4096xi32, #tpu.memory_space<hbm>>
    tpu.wait_dma2 semaphore(%arg15 : memref<!tpu.dma_semaphore, #tpu.memory_space<semaphore_mem>>) src(%dma_wait3A_102 : memref<4096xi32, #tpu.memory_space<hbm>>) dst(%arg9 : memref<4096xi32, #tpu.memory_space<vmem>>)
    %dma_wait3A_103 = arith.constant 12288 : i32
    %dma_wait3A_104 = tpu.memref_slice %arg3[%dma_wait3A_103] : memref<16384xi32, #tpu.memory_space<hbm>> -> memref<4096xi32, #tpu.memory_space<hbm>>
    %dma_wait3A_105 = arith.constant 12288 : i32
    %dma_wait3A_106 = tpu.memref_slice %arg3[%dma_wait3A_105] : memref<16384xi32, #tpu.memory_space<hbm>> -> memref<4096xi32, #tpu.memory_space<hbm>>
    tpu.wait_dma2 semaphore(%arg15 : memref<!tpu.dma_semaphore, #tpu.memory_space<semaphore_mem>>) src(%dma_wait3A_106 : memref<4096xi32, #tpu.memory_space<hbm>>) dst(%arg10 : memref<4096xi32, #tpu.memory_space<vmem>>)
    %dma_wait3A_107 = arith.constant 4096 : i32
    %dma_wait3A_108 = tpu.memref_slice %arg5[%add3A, %dma_wait3A_107] : memref<32x16384xf32, #tpu.memory_space<hbm>> -> memref<1x4096xf32, #tpu.memory_space<hbm>>
    %dma_wait3A_109 = tpu.memref_squeeze %dma_wait3A_108 : memref<1x4096xf32, #tpu.memory_space<hbm>> -> memref<4096xf32, #tpu.memory_space<hbm>>
    %dma_wait3A_110 = arith.constant 4096 : i32
    %dma_wait3A_111 = tpu.memref_slice %arg5[%add3A, %dma_wait3A_110] : memref<32x16384xf32, #tpu.memory_space<hbm>> -> memref<1x4096xf32, #tpu.memory_space<hbm>>
    %dma_wait3A_112 = tpu.memref_squeeze %dma_wait3A_111 : memref<1x4096xf32, #tpu.memory_space<hbm>> -> memref<4096xf32, #tpu.memory_space<hbm>>
    tpu.wait_dma2 semaphore(%arg17 : memref<!tpu.dma_semaphore, #tpu.memory_space<semaphore_mem>>) src(%arg12 : memref<4096xf32, #tpu.memory_space<vmem>>) dst(%dma_wait3A_112 : memref<4096xf32, #tpu.memory_space<hbm>>)
    %parallel_loop3A_113 = arith.constant 0 : i32
    %parallel_loop3A_114 = arith.constant 256 : i32
    %parallel_loop3A_115 = arith.constant 1 : i32
    scf.for %parallel_loop3A_134 = %parallel_loop3A_113 to %parallel_loop3A_114 step %parallel_loop3A_115  : i32 {
      %parallel_loop3A_135 = arith.constant 16 : i32
      %parallel_loop3A_136 = arith.muli %parallel_loop3A_134, %parallel_loop3A_135 : i32
      %parallel_loop3A_137 = arith.constant 0 : i32
      %parallel_loop3A_138 = arith.addi %parallel_loop3A_137, %parallel_loop3A_136 : i32
      %parallel_loop3A_139 = arith.index_cast %parallel_loop3A_138 : i32 to index
      %parallel_loop3A_140 = tpu.vector_load %arg9[%parallel_loop3A_139] {strides = array<i32>} : memref<4096xi32, #tpu.memory_space<vmem>>, vector<16xi32>,
      %parallel_loop3A_141 = arith.constant 1000 : i32
      %parallel_loop3A_142 = vector.broadcast %parallel_loop3A_141 : i32 to vector<16xi32>
      %parallel_loop3A_143 = arith.muli %parallel_loop3A_140, %parallel_loop3A_142 : vector<16xi32>
      %parallel_loop3A_144 = arith.index_cast %parallel_loop3A_138 : i32 to index
      %parallel_loop3A_145 = tpu.vector_load %arg10[%parallel_loop3A_144] {strides = array<i32>} : memref<4096xi32, #tpu.memory_space<vmem>>, vector<16xi32>,
      %parallel_loop3A_146 = arith.addi %parallel_loop3A_143, %parallel_loop3A_145 : vector<16xi32>
      %parallel_loop3A_147 = tpu.vector_load_idx %arg6[%parallel_loop3A_146] : memref<100000xf32, #tpu.memory_space<vmem>>[vector<16xi32>], vector<16xf32>,
      %parallel_loop3A_148 = arith.constant 16 : i32
      %parallel_loop3A_149 = arith.muli %parallel_loop3A_134, %parallel_loop3A_148 : i32
      %parallel_loop3A_150 = arith.index_cast %parallel_loop3A_149 : i32 to index
      %parallel_loop3A_151 = tpu.vector_load %arg12[%parallel_loop3A_150] {strides = array<i32>} : memref<4096xf32, #tpu.memory_space<vmem>>, vector<16xf32>,
      tpu.vector_store %arg12[%parallel_loop3A_150], %parallel_loop3A_147 {strides = array<i32>} : memref<4096xf32, #tpu.memory_space<vmem>>, vector<16xf32>,
    } {sc.loop_unroll_factor = 16 : i64, sc.parallel_access}
    %dma_start3A_116 = arith.constant 12288 : i32
    %dma_start3A_117 = tpu.memref_slice %arg5[%add3A, %dma_start3A_116] : memref<32x16384xf32, #tpu.memory_space<hbm>> -> memref<1x4096xf32, #tpu.memory_space<hbm>>
    %dma_start3A_118 = tpu.memref_squeeze %dma_start3A_117 : memref<1x4096xf32, #tpu.memory_space<hbm>> -> memref<4096xf32, #tpu.memory_space<hbm>>
    %dma_start3A_119 = arith.constant 12288 : i32
    %dma_start3A_120 = tpu.memref_slice %arg5[%add3A, %dma_start3A_119] : memref<32x16384xf32, #tpu.memory_space<hbm>> -> memref<1x4096xf32, #tpu.memory_space<hbm>>
    %dma_start3A_121 = tpu.memref_squeeze %dma_start3A_120 : memref<1x4096xf32, #tpu.memory_space<hbm>> -> memref<4096xf32, #tpu.memory_space<hbm>>
    tpu.enqueue_dma source(%arg12 : memref<4096xf32, #tpu.memory_space<vmem>>) target(%dma_start3A_121 : memref<4096xf32, #tpu.memory_space<hbm>>) target_semaphore(%arg17 : memref<!tpu.dma_semaphore, #tpu.memory_space<semaphore_mem>>)
    %dma_wait3A_122 = arith.constant 8192 : i32
    %dma_wait3A_123 = tpu.memref_slice %arg5[%add3A, %dma_wait3A_122] : memref<32x16384xf32, #tpu.memory_space<hbm>> -> memref<1x4096xf32, #tpu.memory_space<hbm>>
    %dma_wait3A_124 = tpu.memref_squeeze %dma_wait3A_123 : memref<1x4096xf32, #tpu.memory_space<hbm>> -> memref<4096xf32, #tpu.memory_space<hbm>>
    %dma_wait3A_125 = arith.constant 8192 : i32
    %dma_wait3A_126 = tpu.memref_slice %arg5[%add3A, %dma_wait3A_125] : memref<32x16384xf32, #tpu.memory_space<hbm>> -> memref<1x4096xf32, #tpu.memory_space<hbm>>
    %dma_wait3A_127 = tpu.memref_squeeze %dma_wait3A_126 : memref<1x4096xf32, #tpu.memory_space<hbm>> -> memref<4096xf32, #tpu.memory_space<hbm>>
    tpu.wait_dma2 semaphore(%arg16 : memref<!tpu.dma_semaphore, #tpu.memory_space<semaphore_mem>>) src(%arg11 : memref<4096xf32, #tpu.memory_space<vmem>>) dst(%dma_wait3A_127 : memref<4096xf32, #tpu.memory_space<hbm>>)
    %dma_wait3A_128 = arith.constant 12288 : i32
    %dma_wait3A_129 = tpu.memref_slice %arg5[%add3A, %dma_wait3A_128] : memref<32x16384xf32, #tpu.memory_space<hbm>> -> memref<1x4096xf32, #tpu.memory_space<hbm>>
    %dma_wait3A_130 = tpu.memref_squeeze %dma_wait3A_129 : memref<1x4096xf32, #tpu.memory_space<hbm>> -> memref<4096xf32, #tpu.memory_space<hbm>>
    %dma_wait3A_131 = arith.constant 12288 : i32
    %dma_wait3A_132 = tpu.memref_slice %arg5[%add3A, %dma_wait3A_131] : memref<32x16384xf32, #tpu.memory_space<hbm>> -> memref<1x4096xf32, #tpu.memory_space<hbm>>
    %dma_wait3A_133 = tpu.memref_squeeze %dma_wait3A_132 : memref<1x4096xf32, #tpu.memory_space<hbm>> -> memref<4096xf32, #tpu.memory_space<hbm>>
    tpu.wait_dma2 semaphore(%arg17 : memref<!tpu.dma_semaphore, #tpu.memory_space<semaphore_mem>>) src(%arg12 : memref<4096xf32, #tpu.memory_space<vmem>>) dst(%dma_wait3A_133 : memref<4096xf32, #tpu.memory_space<hbm>>)
    return
  }
}

</mosaic_0001>

<sc_bundles>
// kernel: kernel.3.cloned.1.call-start
scs
__scs_entry_jumppad:
0x0: {  	(pc) =	sbr.rel $0x88, $3  }
0x1: {  	(tag) =	ssettag $0x0;
	lr =	simm.s32 $0x1  }
0x2: {  	[smem:$0x3F9E] =	sst lr;
	_ =	strace $0xD0000000  }
0x3: {  	_ = 	snop  }
0x4: {  	_ = 	snop  }
0x5: {  	_ = 	snop  }
0x6: {  	_ = 	snop  }
0x7: {  	_ = 	snop  }
__scs_overlays_trampoline_lowered:
0x8: {  	[smem:$0x3FAD] =	sst s0  }
0x9: {  	[smem:$0x3FAE] =	sst s1  }
0xa: {  	[smem:$0x3FAF] =	sst s2  }
0xb: {  	[smem:$0x3FB0] =	sst s3  }
0xc: {  	[smem:$0x3FB1] =	sst s4  }
0xd: {  	[smem:$0x3FB2] =	sst s5  }
0xe: {  	[smem:$0x3FB3] =	sst s6  }
0xf: {  	[smem:$0x3FB4] =	sst s7  }
0x10: {  	[smem:$0x3FB5] =	sst s8  }
0x11: {  	[smem:$0x3FB6] =	sst s9;
	s0 =	simm.s32 @!p0 $0x0  }
0x12: {  	s1 =	sld [smem:$0x3F9C];
	s0 =	simm.s32 @p0 $0x1  }
0x13: {  	[smem:$0x3FB7] =	sst s0;
	s0 =	simm.s32 @!p1 $0x0  }
0x14: {  	s2 =	sld [smem:$0x3F9B];
	s0 =	simm.s32 @p1 $0x1  }
0x15: {  	[smem:$0x3FB8] =	sst s0;
	s0 =	simm.s32 @!p2 $0x0  }
0x16: {  	s3 =	sld [smem:$0x3FDB];
	s0 =	simm.s32 @p2 $0x1  }
0x17: {  	s4 =	simm.s32 $0x1BF5;
	[smem:$0x3FBA] =	sst s0  }
0x18: {  	s0 =	sld [smem:$0x3F9D];
	_ =	swait.ge [sflag:s4], $0x0  }
0x19: {  	s7 =	sld [smem:$0x3F9E]  }
0x1a: {  	s8 =	sadd.s32 $0xFFFFE003, lr  }
0x1b: {  	s9 =	sadd.s32 $0xFFFFFEF7, lr;
	s5 =	simm.s32 $0xFFFFFFFF;
	p2 =	slt.u32 s8, $0xFFFFF086  }
0x1c: {  	p1 =	slt.u32 s9, $0xF7A;
	s5 =	simm.s32 @!p2 $0x0  }
0x1d: {  	s5 =	simm.s32 @p1 $0x1;
	p0 =	seq.s32 s7, s2  }
0x1e: {  	s7 =	smul.u32 @!p0 $0xF7A, s2;
	p2 =	seq.s32 @!p0 s5, $0x0  }
0x1f: {  	s9 =	smul.u32 $0xF7A, s1;
	s8 =	simm.s32 @!p0 $0x1BF5;
	p2 =	por !p2, p0  }
0x20: {  	[sflag:s8] =	ssyncset.s32 @!p0 $0xFFFFF086;
	s6 =	sadd.s32 @!p0 s3, s7;
	s7 =	simm.s32 @!p0 $0x108  }
0x21: {  	s3 =	sadd.s32 s3, s9;
	s6 =	sadd.s32 @!p0 $0x88, s6;
	s7 =	simm.s32 @p2 $0x1082  }
0x22: {  	[simem:s7], [sflag:s8] =	dma.local @!p0 [hbm:s6], $0xF7A  }
0x23: {  	s9 =	sor.u32 $0xD0000000, s2;
	s6 =	simm.s32 $0x108;
	_ =	swait.ge @!p0 [sflag:s8], $0x0  }
0x24: {  	s3 =	sadd.s32 $0x88, s3;
	s6 =	simm.s32 @!p1 $0x1082;
	[sflag:s4] =	ssyncset.s32 $0xFFFFF086  }
0x25: {  	[simem:s6], [sflag:s4] =	dma.local [hbm:s3], $0xF7A  }
0x26: {  	[smem:$0x3F9E] =	sst s1;
	(tag) =	ssettag s2;
	_ =	strace s9  }
0x27: {  	s1 =	sld [smem:$0x3FAE]  }
0x28: {  	s2 =	sld [smem:$0x3FAF]  }
0x29: {  	s4 =	sld [smem:$0x3FB1]  }
0x2a: {  	p0 =	seq.s32 s5, $0x0;
	s5 =	sld [smem:$0x3FB2]  }
0x2b: {  	s6 =	sld [smem:$0x3FB3]  }
0x2c: {  	s7 =	sld [smem:$0x3FB4]  }
0x2d: {  	s3 =	simm.s32 $0x108;
	s8 =	sld [smem:$0x3FB5]  }
0x2e: {  	s3 =	simm.s32 @!p0 $0x1082;
	s9 =	sld [smem:$0x3FB6]  }
0x2f: {  	lr =	sadd.s32 s0, s3;
	s0 =	sld [smem:$0x3FAD]  }
0x30: {  	s3 =	sld [smem:$0x3FB0]  }
0x31: {  	[smem:$0x3FB9] =	sst s10  }
0x32: {  	s10 =	sld [smem:$0x3FB7];
	_ =	sdelay $0x3  }
0x33: {  	p0 =	seq.s32 s10, $0x1;
	s10 =	sld [smem:$0x3FB9];
	_ =	sdelay $0x3  }
0x34: {  	[smem:$0x3FB9] =	sst s10  }
0x35: {  	s10 =	sld [smem:$0x3FB8];
	_ =	sdelay $0x3  }
0x36: {  	p1 =	seq.s32 s10, $0x1;
	s10 =	sld [smem:$0x3FB9];
	_ =	sdelay $0x3  }
0x37: {  	[smem:$0x3FB9] =	sst s10  }
0x38: {  	s10 =	sld [smem:$0x3FBA]  }
0x39: {  	_ = 	snop;
	(pc) =	sbr.ind lr, $3  }
0x3a: {  	_ = 	snop  }
0x3b: {  	_ = 	snop  }
0x3c: {  	p2 =	seq.s32 s10, $0x1;
	s10 =	sld [smem:$0x3FB9]  }
0x3d: {  	_ =	shalt  }
0x3e: {  	_ =	shalt  }
0x3f: {  	_ =	shalt  }
0x40: {  	_ =	shalt  }
0x41: {  	_ =	shalt  }
0x42: {  	_ =	shalt  }
0x43: {  	_ =	shalt  }
0x44: {  	_ =	shalt  }
0x45: {  	_ =	shalt  }
0x46: {  	_ =	shalt  }
0x47: {  	_ =	shalt  }
0x48: {  	_ =	shalt  }
0x49: {  	_ =	shalt  }
0x4a: {  	_ =	shalt  }
0x4b: {  	_ =	shalt  }
0x4c: {  	_ =	shalt  }
0x4d: {  	_ =	shalt  }
0x4e: {  	_ =	shalt  }
0x4f: {  	_ =	shalt  }
0x50: {  	_ =	shalt  }
0x51: {  	_ =	shalt  }
0x52: {  	_ =	shalt  }
0x53: {  	_ =	shalt  }
0x54: {  	_ =	shalt  }
0x55: {  	_ =	shalt  }
0x56: {  	_ =	shalt  }
0x57: {  	_ =	shalt  }
0x58: {  	_ =	shalt  }
0x59: {  	_ =	shalt  }
0x5a: {  	_ =	shalt  }
0x5b: {  	_ =	shalt  }
0x5c: {  	_ =	shalt  }
0x5d: {  	_ =	shalt  }
0x5e: {  	_ =	shalt  }
0x5f: {  	_ =	shalt  }
0x60: {  	_ =	shalt  }
0x61: {  	_ =	shalt  }
0x62: {  	_ =	shalt  }
0x63: {  	_ =	shalt  }
0x64: {  	_ =	shalt  }
0x65: {  	_ =	shalt  }
0x66: {  	_ =	shalt  }
0x67: {  	_ =	shalt  }
0x68: {  	_ =	shalt  }
0x69: {  	_ =	shalt  }
0x6a: {  	_ =	shalt  }
0x6b: {  	_ =	shalt  }
0x6c: {  	_ =	shalt  }
0x6d: {  	_ =	shalt  }
0x6e: {  	_ =	shalt  }
0x6f: {  	_ =	shalt  }
0x70: {  	_ =	shalt  }
0x71: {  	_ =	shalt  }
0x72: {  	_ =	shalt  }
0x73: {  	_ =	shalt  }
0x74: {  	_ =	shalt  }
0x75: {  	_ =	shalt  }
0x76: {  	_ =	shalt  }
0x77: {  	_ =	shalt  }
0x78: {  	_ =	shalt  }
0x79: {  	_ =	shalt  }
0x7a: {  	_ =	shalt  }
0x7b: {  	_ =	shalt  }
0x7c: {  	_ =	shalt  }
0x7d: {  	_ =	shalt  }
0x7e: {  	_ =	shalt  }
0x7f: {  	_ =	shalt  }
0x80: {  	_ =	shalt  }
0x81: {  	_ =	shalt  }
0x82: {  	_ =	shalt  }
0x83: {  	_ =	shalt  }
0x84: {  	_ =	shalt  }
0x85: {  	_ =	shalt  }
0x86: {  	_ =	shalt  }
0x87: {  	_ =	shalt  }
.Lfunc_end0:
.L_simem_size_0:
called_computation_lowered:
.L_overlay_start_0:
0x88: {  	s2 =	sld [smem:$0x3FD9]  }
0x89: {  	s3 =	sld [smem:$0x3FFE];
	_ =	sdelay $0x1  }
0x8a: {  	s1 =	srdreg.scid  }
0x8b: {  	s0 =	sand.u32 $0x1, s1  }
0x8c: {  	s18 =	sshll.u32 s0, $0xA;
	s2 =	sadd.s32 s3, s2  }
0x8d: {  	s2 =	sadd.s32 s2, s18  }
0x8e: {  	[smem:$0x3FC5] =	sst s2  }
0x8f: {  	_ = 	snop  }
0x90: {  	s2 =	sld [smem:$0x3FC9]  }
0x91: {  	s19 =	sld [smem:$0x3FC8]  }
0x92: {  	s4 =	sld [smem:$0x3FC7]  }
0x93: {  	s5 =	sld [smem:$0x3FD0];
	(tm) =	ssettm $0x1  }
0x94: {  	s6 =	sld [smem:$0x3FFB];
	_ =	sdelay $0x3  }
0x95: {  	_ =	strace s6  }
0x96: {  	s6 =	sld [smem:$0x3FFC];
	_ =	sdelay $0x3  }
0x97: {  	_ =	strace s6  }
0x98: {  	s6 =	sld [smem:$0x3FFD];
	_ =	sdelay $0x3  }
0x99: {  	_ =	strace s6  }
0x9a: {  	_ =	strace $0x8FFFFFFF  }
0x9b: {  	s20 =	sld [smem:$0x3FDB];
	_ =	sdelay $0x1  }
0x9c: {  	s7 =	simm.s32 $_scs_section_size  }
0x9d: {  	s8 =	simm.s32 $_size__tile_overlayer_lowered;
	s9 =	simm.s32 $_tile_overlayer_lowered  }
0x9e: {  	s23 =	simm.s32 $0x1BFF;
	s22 =	sshll.u32 s9, $0x1;
	s6 =	sadd.s32 s7, s20  }
0x9f: {  	s10 =	simm.s32 $0x0;
	s21 =	sshll.u32 s8, $0x1;
	s8 =	sadd.s32 s22, s6  }
0xa0: {  	[timem:s10], [sflag:s23] =	dma.local [hbm:s8], s21  }
0xa1: {  	_ =	swait.ge [sflag:s23], s21  }
0xa2: {  	s7 =	ssub.s32 $0x0, s21;
	[sflag:s23] =	ssyncset.done $0x0  }
0xa3: {  	[sflag:s23] =	ssyncadd.s32 s7;
	_ =	sdelay $0x1  }
0xa4: {  	s24 =	simm.s32 $0x1B8B  }
0xa5: {  	_ =	swait.ge [sflag:s24], $0x1  }
0xa6: {  	[sflag:s24] =	ssyncset.done $0x0  }
0xa7: {  	s25 =	simm.s32 $0x1B8E;
	[sflag:s24] =	ssyncadd.s32 $0xFFFFFFFF  }
0xa8: {  	s26 =	simm.s32 $execute0_lowered;
	[smem:$0x3FD2] =	sst s25  }
0xa9: {  	s7 =	sshll.u32 s26, $0x1;
	_ =	strace $0x80000046;
	[dreg:$0x1] =	wrdreg $0xFFFFFFFF  }
0xaa: {  	s28 =	simm.s32 $_size_execute0_lowered;
	s6 =	sadd.s32 s6, s7;
	[dreg:$0x0] =	wrdreg $0x0  }
0xab: {  	s7 =	sshll.u32 s28, $0x1;
	[dreg:$0x2] =	wrdreg s6  }
0xac: {  	[dreg:$0x3] =	wrdreg s7  }
0xad: {  	[dreg:$0x4] =	wrdreg $0xC0  }
0xae: {  	_ =	task [dreg:s10], $0x5FFFF  }
0xaf: {  	[dreg:$0x1] =	wrdreg $0xFFFFFFFF  }
0xb0: {  	[dreg:$0x0] =	wrdreg $0x60  }
0xb1: {  	[dreg:$0x2] =	wrdreg s2  }
0xb2: {  	[dreg:$0x3] =	wrdreg s19  }
0xb3: {  	[dreg:$0x4] =	wrdreg s4  }
0xb4: {  	[dreg:$0x5] =	wrdreg s5  }
0xb5: {  	[dreg:$0x6] =	wrdreg $0x9  }
0xb6: {  	_ =	task.clear_ibuf [dreg:s10], $0x7FFFF;
	_ =	strace $0x90000046  }
0xb7: {  	s29 =	simm.s32 $0x9;
	_ =	strace $0x80000048  }
0xb8: {  	_ =	swait.ge [sflag:s29], $0x1  }
0xb9: {  	[sflag:s29] =	ssyncadd.s32 $0xFFFFFFFF  }
0xba: {  	_ =	strace $0x90000048  }
0xbb: {  	_ =	sfence  }
0xbc: {  	s30 =	sld [smem:$0x0];
	_ =	sdelay $0x2  }
0xbd: {  	s31 =	sshll.u32 s1, $0xD;
	s1 =	sshrl.u32 s1, $0x2  }
0xbe: {  	s3 =	sand.u32 $0x4000, s31;
	s1 =	sadd.s32 s1, s30  }
0xbf: {  	s0 =	sor.u32 s3, s0;
	s1 =	sshll.u32 s1, $0x11  }
0xc0: {  	s0 =	sor.u32 s1, s0  }
0xc1: {  	s0 =	sadd.s32 $0x8F2B, s0  }
0xc2: {  	[sflag:s0] =	ssyncadd.remote.s32 $0x1  }
0xc3: {  	_ =	sfence.sel $0xFFFF  }
0xc4: {  	[dreg:$0x0] =	wrdreg $0xFFFFFFFF;
	(pc) =	sbr.abs _section_cstart, $3  }
0xc5: {  	[dreg:$0x1] =	wrdreg $0xFFFFFFFF  }
0xc6: {  	_ =	task.clear_ibuf [dreg:s10], $0x2FFFF;
	_ =	strace $0x9FFFFFFF  }
0xc7: {  	(tm) =	ssettm $0x7FFFFFFF  }
tec
execute0_lowered:
.L_overlay_start_1:
0x0: {  	(tag) =	ssettag $0x1  }
0x1: {  	s12 =	rddreg [dreg:$0x0]  }
0x2: {  	s13 =	rddreg [dreg:$0x1]  }
0x3: {  	s0 =	rddreg [dreg:$0x2]  }
0x4: {  	s1 =	rddreg [dreg:$0x3];
	s4 =	simm.s32 $0x0  }
0x5: {  	s2 =	srdreg.scid;
	s5 =	stileid.u32;
	s17 =	simm.s32 $0x18700  }
0x6: {  	s18 =	simm.s32 $0x19700;
	s19 =	simm.s32 $0x80;
	s20 =	simm.s32 $0x400  }
0x7: {  	s21 =	simm.s32 $0x1;
	s22 =	simm.s32 $0x2;
	s23 =	simm.s32 $0x1A700  }
0x8: {  	s28 =	simm.s32 $0x1D700;
	s29 =	simm.s32 $0x4;
	s30 =	simm.s32 $0x5  }
0x9: {  	s31 =	simm.s32 $0x0;
	[smem:$0x7FF] =	sst s4;
	s2 =	sand.u32 $0x1, s2  }
0xa: {  	s3 =	sshrl.u32 s5, $0x2;
	s5 =	sshll.u32 s5, $0x8;
	s9 =	sadd.s32 $0x400, s12  }
0xb: {  	s10 =	sadd.s32 $0x400, s13;
	s6 =	sshll.u32 s2, $0x7;
	s5 =	sand.u32 $0x300, s5  }
0xc: {  	s7 =	smul.u32 $0xC3800, s3;
	_ =	strace $0x80000047;
	s2 =	ssub.s32 $0x2, s2  }
0xd: {  	s3 =	sshll.u32 s3, $0x11;
	s5 =	sor.u32 s6, s5;
	s24 =	sshrl.u32 s2, $0x1  }
0xe: {  	s6 =	sadd.s32 $0x200, s12;
	s12 =	sadd.s32 $0x600, s12;
	s7 =	sor.u32 s7, s5  }
0xf: {  	s2 =	ssub.s32 s2, s24;
	s3 =	sor.u32 s3, s5;
	s24 =	simm.s32 $0x1B700  }
0x10: {  	s25 =	sshrl.u32 s7, $0x3;
	s26 =	sshrl.u32 s3, $0x3;
	s7 =	sadd.s32 $0x200, s13  }
0x11: {  	s13 =	sadd.s32 $0x600, s13;
	s16 =	smax.u32 s2, $0x1;
	s5 =	sadd.s32 s0, s25  }
0x12: {  	s8 =	sadd.s32 s1, s26;
	s25 =	simm.s32 $0x1C700;
	s26 =	simm.s32 $0x3  }
0x13: {  	s11 =	sadd.s32 $0x1000, s8;
	s14 =	sadd.s32 $0x2000, s8;
	s15 =	sadd.s32 $0x3000, s8  }
.LBB2_1:
0x14: {  	s0 =	rddreg [dreg:$0x0]  }
0x15: {  	[tilespmem:s17], [sflag:$0x2] =	stream.linear.gather [hbm4b:s0+s4], $0x1000, $0x38;
	[tilespmem:$0x1E700] =	vst v63  }
0x16: {  	s3 =	rddreg [dreg:$0x1]  }
0x17: {  	[tilespmem:s18], [sflag:$0x2] =	stream.linear.gather [hbm4b:s3+s4], $0x1000, $0x38;
	[tilespmem:$0x1E700] =	vst v63  }
0x18: {  	_ = 	snop  }
0x19: {  	[tilespmem:s4], [sflag:$0x1] =	stream.strided.gather [hbm4b:s5+s19], $0x18700, s20, s19, $0x38;
	[tilespmem:$0x1E700] =	vst v63  }
0x1a: {  	_ =	swait.ge [sflag:s21], $0x18700  }
0x1b: {  	[sflag:s21] =	ssyncset.done $0x0  }
0x1c: {  	[sflag:s21] =	ssyncadd.s32 $0xFFFE7900  }
0x1d: {  	_ =	swait.ge [sflag:s22], $0x1000  }
0x1e: {  	[sflag:s22] =	ssyncset.done $0x0  }
0x1f: {  	[sflag:s22] =	ssyncadd.s32 $0xFFFFF000  }
0x20: {  	_ =	swait.ge [sflag:s22], $0x1000  }
0x21: {  	[sflag:s22] =	ssyncset.done $0x0  }
0x22: {  	[sflag:s22] =	ssyncadd.s32 $0xFFFFF000  }
0x23: {  	[tilespmem:s23], [sflag:$0x3] =	stream.linear.gather [hbm4b:s6+s4], $0x1000, $0x38;
	[tilespmem:$0x1E700] =	vst v63  }
0x24: {  	s1 =	simm.s32 $0x18780  }
0x25: {  	[tilespmem:s24], [sflag:$0x3] =	stream.linear.gather [hbm4b:s7+s4], $0x1000, $0x38;
	[tilespmem:$0x1E700] =	vst v63  }
0x26: {  	v0 =	vld [tilespmem:s1+$0x70]  }
0x27: {  	s0 =	simm.s32 $0x19780;
	v1 =	vld [tilespmem:s1+$0xFFFFFF90]  }
0x28: {  	v2 =	vld [tilespmem:s0+$0x70]  }
0x29: {  	v3 =	vld [tilespmem:s1+$0xFFFFFFA0]  }
0x2a: {  	v4 =	vld [tilespmem:s1+$0xFFFFFFB0]  }
0x2b: {  	v5 =	vld [tilespmem:s1+$0xFFFFFFC0]  }
0x2c: {  	v6 =	vld [tilespmem:s1+$0xFFFFFFD0]  }
0x2d: {  	v7 =	vld [tilespmem:s1+$0xFFFFFFE0]  }
0x2e: {  	v8 =	vld [tilespmem:s1+$0x0]  }
0x2f: {  	v9 =	vld [tilespmem:s1+$0x10]  }
0x30: {  	v10 =	vld [tilespmem:s1+$0x20]  }
0x31: {  	v11 =	vld [tilespmem:s1+$0x30]  }
0x32: {  	v12 =	vld [tilespmem:s1+$0x40]  }
0x33: {  	v13 =	vld [tilespmem:s1+$0x50]  }
0x34: {  	v14 =	vld [tilespmem:s1+$0x60]  }
0x35: {  	v15 =	vld [tilespmem:s1+$0xFFFFFF80]  }
0x36: {  	v16 =	vld [tilespmem:s0+$0xFFFFFF80]  }
0x37: {  	v17 =	vld [tilespmem:s0+$0xFFFFFF90]  }
0x38: {  	v18 =	vld [tilespmem:s0+$0xFFFFFFA0]  }
0x39: {  	v19 =	vld [tilespmem:s0+$0xFFFFFFB0]  }
0x3a: {  	v20 =	vld [tilespmem:s0+$0xFFFFFFC0]  }
0x3b: {  	v21 =	vld [tilespmem:s0+$0xFFFFFFD0]  }
0x3c: {  	v22 =	vld [tilespmem:s0+$0xFFFFFFE0]  }
0x3d: {  	v23 =	vld [tilespmem:s0+$0xFFFFFFF0]  }
0x3e: {  	v24 =	vld [tilespmem:s0+$0x0]  }
0x3f: {  	v25 =	vld [tilespmem:s0+$0x10];
	v0 =	vmul.u32 $0x3E8, v0  }
0x40: {  	v55 =	vld [tilespmem:s0+$0x20];
	v15 =	vmul.u32 $0x3E8, v15  }
0x41: {  	v56 =	vld [tilespmem:s0+$0x30];
	v1 =	vmul.u32 $0x3E8, v1;
	v0 =	vadd.s32 v2, v0  }
0x42: {  	v57 =	vld [tilespmem:s0+$0x40];
	v3 =	vmul.u32 $0x3E8, v3;
	v15 =	vadd.s32 v16, v15  }
0x43: {  	v58 =	vld [tilespmem:s0+$0x50];
	v4 =	vmul.u32 $0x3E8, v4;
	v1 =	vadd.s32 v17, v1  }
0x44: {  	v5 =	vmul.u32 $0x3E8, v5;
	v2 =	vld [tilespmem:s1+$0xFFFFFFF0];
	v3 =	vadd.s32 v18, v3  }
0x45: {  	v59 =	vld [tilespmem:s0+$0x60];
	v6 =	vmul.u32 $0x3E8, v6;
	v4 =	vadd.s32 v19, v4  }
0x46: {  	v7 =	vmul.u32 $0x3E8, v7;
	v5 =	vadd.s32 v20, v5;
	v0 =	vld.idx.msk [tilespmem:v0+s4+$0x0], $0xffff  }
0x47: {  	v8 =	vmul.u32 $0x3E8, v8;
	v6 =	vadd.s32 v21, v6;
	v15 =	vld.idx.msk [tilespmem:v15+s4+$0x0], $0xffff  }
0x48: {  	v10 =	vmul.u32 $0x3E8, v10;
	v7 =	vadd.s32 v22, v7;
	v1 =	vld.idx.msk [tilespmem:v1+s4+$0x0], $0xffff  }
0x49: {  	v8 =	vadd.s32 v24, v8;
	v2 =	vmul.u32 $0x3E8, v2;
	v3 =	vld.idx.msk [tilespmem:v3+s4+$0x0], $0xffff  }
0x4a: {  	v9 =	vmul.u32 $0x3E8, v9;
	v10 =	vadd.s32 v55, v10;
	v4 =	vld.idx.msk [tilespmem:v4+s4+$0x0], $0xffff  }
0x4b: {  	s3 =	simm.s32 $0x1C780;
	v61 =	vmul.u32 $0x3E8, v14;
	v5 =	vld.idx.msk [tilespmem:v5+s4+$0x0], $0xffff;
	v2 =	vadd.s32 v23, v2  }
0x4c: {  	v11 =	vmul.u32 $0x3E8, v11;
	v9 =	vadd.s32 v25, v9;
	v6 =	vld.idx.msk [tilespmem:v6+s4+$0x0], $0xffff;
	[tilespmem:s3+$0x70] =	vst v0  }
0x4d: {  	v60 =	vmul.u32 $0x3E8, v13;
	v13 =	vadd.s32 v59, v61;
	v7 =	vld.idx.msk [tilespmem:v7+s4+$0x0], $0xffff;
	v0 =	vmul.u32 $0x3E8, v12;
	[tilespmem:s3+$0xFFFFFF80] =	vst v15  }
0x4e: {  	v11 =	vadd.s32 v56, v11;
	v8 =	vld.idx.msk [tilespmem:v8+s4+$0x0], $0xffff;
	[tilespmem:s3+$0xFFFFFF90] =	vst v1  }
0x4f: {  	[tilespmem:s3+$0xFFFFFFA0] =	vst v3;
	v1 =	vld.idx.msk [tilespmem:v10+s4+$0x0], $0xffff;
	v62 =	vadd.s32 v57, v0  }
0x50: {  	v12 =	vadd.s32 v58, v60;
	[tilespmem:s3+$0xFFFFFFB0] =	vst v4;
	v63 =	vld.idx.msk [tilespmem:v2+s4+$0x0], $0xffff  }
0x51: {  	[tilespmem:s3+$0xFFFFFFC0] =	vst v5;
	v0 =	vld.idx.msk [tilespmem:v9+s4+$0x0], $0xffff  }
0x52: {  	[tilespmem:s3+$0xFFFFFFD0] =	vst v6;
	v5 =	vld.idx.msk [tilespmem:v13+s4+$0x0], $0xffff  }
0x53: {  	[tilespmem:s3+$0xFFFFFFE0] =	vst v7;
	v2 =	vld.idx.msk [tilespmem:v11+s4+$0x0], $0xffff  }
0x54: {  	[tilespmem:s3+$0x0] =	vst v8;
	v3 =	vld.idx.msk [tilespmem:v62+s4+$0x0], $0xffff  }
0x55: {  	s2 =	simm.s32 $0x18880;
	s1 =	simm.s32 $0x0;
	v4 =	vld.idx.msk [tilespmem:v12+s4+$0x0], $0xffff;
	[tilespmem:s3+$0xFFFFFFF0] =	vst v63  }
.LBB2_2:
0x56: {  	v6 =	vld [tilespmem:s2+$0x70];
	s1 =	sadd.s32 $0x10, s1;
	[tilespmem:s3+$0x10] =	vst v0  }
0x57: {  	s0 =	sadd.s32 $0x100, s0;
	v0 =	vld [tilespmem:s2+$0xFFFFFF90];
	p0 =	slt.u32 s1, $0xF0;
	[tilespmem:s3+$0x20] =	vst v1  }
0x58: {  	v1 =	vld [tilespmem:s0+$0x70];
	[tilespmem:s3+$0x30] =	vst v2  }
0x59: {  	v2 =	vld [tilespmem:s2+$0xFFFFFFA0];
	[tilespmem:s3+$0x40] =	vst v3  }
0x5a: {  	v3 =	vld [tilespmem:s2+$0xFFFFFFB0];
	[tilespmem:s3+$0x50] =	vst v4  }
0x5b: {  	v4 =	vld [tilespmem:s2+$0xFFFFFFC0];
	v6 =	vmul.u32 $0x3E8, v6;
	[tilespmem:s3+$0x60] =	vst v5  }
0x5c: {  	v0 =	vmul.u32 $0x3E8, v0;
	v5 =	vld [tilespmem:s2+$0xFFFFFFD0]  }
0x5d: {  	v7 =	vld [tilespmem:s2+$0xFFFFFFE0];
	v1 =	vadd.s32 v1, v6  }
0x5e: {  	v2 =	vmul.u32 $0x3E8, v2;
	v6 =	vld [tilespmem:s2+$0xFFFFFFF0]  }
0x5f: {  	v3 =	vmul.u32 $0x3E8, v3;
	v8 =	vld [tilespmem:s2+$0x0]  }
0x60: {  	v4 =	vmul.u32 $0x3E8, v4;
	v9 =	vld [tilespmem:s2+$0x10]  }
0x61: {  	v5 =	vmul.u32 $0x3E8, v5;
	v10 =	vld [tilespmem:s2+$0x20]  }
0x62: {  	v7 =	vmul.u32 $0x3E8, v7;
	v1 =	vld.idx.msk [tilespmem:v1+s4+$0x0], $0xffff  }
0x63: {  	v6 =	vmul.u32 $0x3E8, v6;
	v11 =	vld [tilespmem:s2+$0x30]  }
0x64: {  	v8 =	vmul.u32 $0x3E8, v8;
	v12 =	vld [tilespmem:s2+$0x40]  }
0x65: {  	v9 =	vmul.u32 $0x3E8, v9;
	v13 =	vld [tilespmem:s2+$0x50]  }
0x66: {  	v10 =	vmul.u32 $0x3E8, v10;
	v14 =	vld [tilespmem:s2+$0x60]  }
0x67: {  	s3 =	sadd.s32 $0x100, s3;
	v15 =	vld [tilespmem:s2+$0xFFFFFF80]  }
0x68: {  	v16 =	vld [tilespmem:s0+$0xFFFFFF80];
	v11 =	vmul.u32 $0x3E8, v11;
	[tilespmem:s3+$0x70] =	vst v1  }
0x69: {  	v1 =	vld [tilespmem:s0+$0xFFFFFF90];
	v12 =	vmul.u32 $0x3E8, v12  }
0x6a: {  	v17 =	vld [tilespmem:s0+$0xFFFFFFA0];
	v13 =	vmul.u32 $0x3E8, v13  }
0x6b: {  	v18 =	vld [tilespmem:s0+$0xFFFFFFB0];
	v14 =	vmul.u32 $0x3E8, v14  }
0x6c: {  	v15 =	vmul.u32 $0x3E8, v15;
	v19 =	vld [tilespmem:s0+$0xFFFFFFC0]  }
0x6d: {  	v20 =	vld [tilespmem:s0+$0xFFFFFFD0]  }
0x6e: {  	v15 =	vadd.s32 v16, v15;
	v0 =	vadd.s32 v1, v0;
	v1 =	vld [tilespmem:s0+$0xFFFFFFE0]  }
0x6f: {  	v2 =	vadd.s32 v17, v2;
	v16 =	vld [tilespmem:s0+$0xFFFFFFF0]  }
0x70: {  	v3 =	vadd.s32 v18, v3;
	v17 =	vld [tilespmem:s0+$0x0]  }
0x71: {  	v4 =	vadd.s32 v19, v4;
	v18 =	vld [tilespmem:s0+$0x10]  }
0x72: {  	v5 =	vadd.s32 v20, v5;
	v19 =	vld [tilespmem:s0+$0x20]  }
0x73: {  	v1 =	vadd.s32 v1, v7;
	v7 =	vld [tilespmem:s0+$0x30]  }
0x74: {  	v6 =	vadd.s32 v16, v6;
	v16 =	vld [tilespmem:s0+$0x40]  }
0x75: {  	v8 =	vadd.s32 v17, v8;
	v17 =	vld [tilespmem:s0+$0x50]  }
0x76: {  	v9 =	vadd.s32 v18, v9;
	v18 =	vld [tilespmem:s0+$0x60]  }
0x77: {  	v15 =	vld.idx.msk [tilespmem:v15+s4+$0x0], $0xffff;
	v10 =	vadd.s32 v19, v10  }
0x78: {  	v0 =	vld.idx.msk [tilespmem:v0+s4+$0x0], $0xffff;
	v7 =	vadd.s32 v7, v11  }
0x79: {  	v2 =	vld.idx.msk [tilespmem:v2+s4+$0x0], $0xffff;
	v11 =	vadd.s32 v16, v12  }
0x7a: {  	v3 =	vld.idx.msk [tilespmem:v3+s4+$0x0], $0xffff;
	v12 =	vadd.s32 v17, v13  }
0x7b: {  	v4 =	vld.idx.msk [tilespmem:v4+s4+$0x0], $0xffff;
	v13 =	vadd.s32 v18, v14  }
0x7c: {  	v5 =	vld.idx.msk [tilespmem:v5+s4+$0x0], $0xffff  }
0x7d: {  	[tilespmem:s3+$0xFFFFFF80] =	vst v15;
	v14 =	vld.idx.msk [tilespmem:v1+s4+$0x0], $0xffff  }
0x7e: {  	[tilespmem:s3+$0xFFFFFF90] =	vst v0;
	v6 =	vld.idx.msk [tilespmem:v6+s4+$0x0], $0xffff  }
0x7f: {  	[tilespmem:s3+$0xFFFFFFA0] =	vst v2;
	v8 =	vld.idx.msk [tilespmem:v8+s4+$0x0], $0xffff  }
0x80: {  	[tilespmem:s3+$0xFFFFFFB0] =	vst v3;
	v0 =	vld.idx.msk [tilespmem:v9+s4+$0x0], $0xffff  }
.Ltmp0:
0x81: {  	[tilespmem:s3+$0xFFFFFFC0] =	vst v4;
	v1 =	vld.idx.msk [tilespmem:v10+s4+$0x0], $0xffff;
	(pc) =	sbr.rel @p0 .LBB2_2-.Ltmp0, $4  }
0x82: {  	[tilespmem:s3+$0xFFFFFFD0] =	vst v5;
	v2 =	vld.idx.msk [tilespmem:v7+s4+$0x0], $0xffff  }
0x83: {  	[tilespmem:s3+$0xFFFFFFE0] =	vst v14;
	v3 =	vld.idx.msk [tilespmem:v11+s4+$0x0], $0xffff  }
0x84: {  	[tilespmem:s3+$0xFFFFFFF0] =	vst v6;
	v4 =	vld.idx.msk [tilespmem:v12+s4+$0x0], $0xffff  }
0x85: {  	s2 =	sadd.s32 $0x100, s2;
	[tilespmem:s3+$0x0] =	vst v8;
	v5 =	vld.idx.msk [tilespmem:v13+s4+$0x0], $0xffff  }
0x86: {  	[tilespmem:s3+$0x10] =	vst v0  }
0x87: {  	[tilespmem:s3+$0x20] =	vst v1  }
0x88: {  	[tilespmem:s3+$0x30] =	vst v2  }
0x89: {  	[tilespmem:s3+$0x40] =	vst v3  }
0x8a: {  	[tilespmem:s3+$0x50] =	vst v4  }
0x8b: {  	[tilespmem:s3+$0x60] =	vst v5  }
0x8c: {  	[hbm4b:s8+s19] =	stream.strided.scatter [tilespmem:s25], [sflag:$0x4], $0x1000, s20, s19, $0x38;
	[tilespmem:$0x1E700] =	vst v63  }
0x8d: {  	_ =	swait.ge [sflag:s26], $0x1000  }
0x8e: {  	[sflag:s26] =	ssyncset.done $0x0  }
0x8f: {  	[sflag:s26] =	ssyncadd.s32 $0xFFFFF000  }
0x90: {  	_ =	swait.ge [sflag:s26], $0x1000  }
0x91: {  	[sflag:s26] =	ssyncset.done $0x0  }
0x92: {  	[sflag:s26] =	ssyncadd.s32 $0xFFFFF000  }
0x93: {  	[tilespmem:s17], [sflag:$0x2] =	stream.linear.gather [hbm4b:s9+s4], $0x1000, $0x38;
	[tilespmem:$0x1E700] =	vst v63  }
0x94: {  	s1 =	simm.s32 $0x1A780  }
0x95: {  	[tilespmem:s18], [sflag:$0x2] =	stream.linear.gather [hbm4b:s10+s4], $0x1000, $0x38;
	[tilespmem:$0x1E700] =	vst v63  }
0x96: {  	v0 =	vld [tilespmem:s1+$0x70]  }
0x97: {  	s0 =	simm.s32 $0x1B780;
	v1 =	vld [tilespmem:s1+$0xFFFFFF90]  }
0x98: {  	v2 =	vld [tilespmem:s0+$0x70]  }
0x99: {  	v3 =	vld [tilespmem:s1+$0xFFFFFFA0]  }
0x9a: {  	v4 =	vld [tilespmem:s1+$0xFFFFFFB0]  }
0x9b: {  	v5 =	vld [tilespmem:s1+$0xFFFFFFC0]  }
0x9c: {  	v6 =	vld [tilespmem:s1+$0xFFFFFFD0]  }
0x9d: {  	v7 =	vld [tilespmem:s1+$0xFFFFFFE0]  }
0x9e: {  	v8 =	vld [tilespmem:s1+$0x0]  }
0x9f: {  	v9 =	vld [tilespmem:s1+$0x10]  }
0xa0: {  	v10 =	vld [tilespmem:s1+$0x20]  }
0xa1: {  	v11 =	vld [tilespmem:s1+$0x30]  }
0xa2: {  	v12 =	vld [tilespmem:s1+$0x40]  }
0xa3: {  	v13 =	vld [tilespmem:s1+$0x50]  }
0xa4: {  	v14 =	vld [tilespmem:s1+$0x60]  }
0xa5: {  	v15 =	vld [tilespmem:s1+$0xFFFFFF80]  }
0xa6: {  	v16 =	vld [tilespmem:s0+$0xFFFFFF80]  }
0xa7: {  	v17 =	vld [tilespmem:s0+$0xFFFFFF90]  }
0xa8: {  	v18 =	vld [tilespmem:s0+$0xFFFFFFA0]  }
0xa9: {  	v19 =	vld [tilespmem:s0+$0xFFFFFFB0]  }
0xaa: {  	v20 =	vld [tilespmem:s0+$0xFFFFFFC0]  }
0xab: {  	v21 =	vld [tilespmem:s0+$0xFFFFFFD0]  }
0xac: {  	v22 =	vld [tilespmem:s0+$0xFFFFFFE0]  }
0xad: {  	v23 =	vld [tilespmem:s0+$0xFFFFFFF0]  }
0xae: {  	v24 =	vld [tilespmem:s0+$0x0]  }
0xaf: {  	v25 =	vld [tilespmem:s0+$0x10];
	v0 =	vmul.u32 $0x3E8, v0  }
0xb0: {  	v55 =	vld [tilespmem:s0+$0x20];
	v15 =	vmul.u32 $0x3E8, v15  }
0xb1: {  	v56 =	vld [tilespmem:s0+$0x30];
	v1 =	vmul.u32 $0x3E8, v1;
	v0 =	vadd.s32 v2, v0  }
0xb2: {  	v57 =	vld [tilespmem:s0+$0x40];
	v3 =	vmul.u32 $0x3E8, v3;
	v15 =	vadd.s32 v16, v15  }
0xb3: {  	v58 =	vld [tilespmem:s0+$0x50];
	v4 =	vmul.u32 $0x3E8, v4;
	v1 =	vadd.s32 v17, v1  }
0xb4: {  	v5 =	vmul.u32 $0x3E8, v5;
	v2 =	vld [tilespmem:s1+$0xFFFFFFF0];
	v3 =	vadd.s32 v18, v3  }
0xb5: {  	v59 =	vld [tilespmem:s0+$0x60];
	v6 =	vmul.u32 $0x3E8, v6;
	v4 =	vadd.s32 v19, v4  }
0xb6: {  	v7 =	vmul.u32 $0x3E8, v7;
	v5 =	vadd.s32 v20, v5;
	v0 =	vld.idx.msk [tilespmem:v0+s4+$0x0], $0xffff  }
0xb7: {  	v8 =	vmul.u32 $0x3E8, v8;
	v6 =	vadd.s32 v21, v6;
	v15 =	vld.idx.msk [tilespmem:v15+s4+$0x0], $0xffff  }
0xb8: {  	v10 =	vmul.u32 $0x3E8, v10;
	v7 =	vadd.s32 v22, v7;
	v1 =	vld.idx.msk [tilespmem:v1+s4+$0x0], $0xffff  }
0xb9: {  	v8 =	vadd.s32 v24, v8;
	v2 =	vmul.u32 $0x3E8, v2;
	v3 =	vld.idx.msk [tilespmem:v3+s4+$0x0], $0xffff  }
0xba: {  	v9 =	vmul.u32 $0x3E8, v9;
	v10 =	vadd.s32 v55, v10;
	v4 =	vld.idx.msk [tilespmem:v4+s4+$0x0], $0xffff  }
0xbb: {  	s3 =	simm.s32 $0x1D780;
	v61 =	vmul.u32 $0x3E8, v14;
	v5 =	vld.idx.msk [tilespmem:v5+s4+$0x0], $0xffff;
	v2 =	vadd.s32 v23, v2  }
0xbc: {  	v11 =	vmul.u32 $0x3E8, v11;
	v9 =	vadd.s32 v25, v9;
	v6 =	vld.idx.msk [tilespmem:v6+s4+$0x0], $0xffff;
	[tilespmem:s3+$0x70] =	vst v0  }
0xbd: {  	v60 =	vmul.u32 $0x3E8, v13;
	v13 =	vadd.s32 v59, v61;
	v7 =	vld.idx.msk [tilespmem:v7+s4+$0x0], $0xffff;
	v0 =	vmul.u32 $0x3E8, v12;
	[tilespmem:s3+$0xFFFFFF80] =	vst v15  }
0xbe: {  	v11 =	vadd.s32 v56, v11;
	v8 =	vld.idx.msk [tilespmem:v8+s4+$0x0], $0xffff;
	[tilespmem:s3+$0xFFFFFF90] =	vst v1  }
0xbf: {  	[tilespmem:s3+$0xFFFFFFA0] =	vst v3;
	v1 =	vld.idx.msk [tilespmem:v10+s4+$0x0], $0xffff;
	v62 =	vadd.s32 v57, v0  }
0xc0: {  	v12 =	vadd.s32 v58, v60;
	[tilespmem:s3+$0xFFFFFFB0] =	vst v4;
	v63 =	vld.idx.msk [tilespmem:v2+s4+$0x0], $0xffff  }
0xc1: {  	[tilespmem:s3+$0xFFFFFFC0] =	vst v5;
	v0 =	vld.idx.msk [tilespmem:v9+s4+$0x0], $0xffff  }
0xc2: {  	[tilespmem:s3+$0xFFFFFFD0] =	vst v6;
	v5 =	vld.idx.msk [tilespmem:v13+s4+$0x0], $0xffff  }
0xc3: {  	[tilespmem:s3+$0xFFFFFFE0] =	vst v7;
	v2 =	vld.idx.msk [tilespmem:v11+s4+$0x0], $0xffff  }
0xc4: {  	[tilespmem:s3+$0x0] =	vst v8;
	v3 =	vld.idx.msk [tilespmem:v62+s4+$0x0], $0xffff  }
0xc5: {  	s2 =	simm.s32 $0x1A880;
	s1 =	simm.s32 $0x0;
	v4 =	vld.idx.msk [tilespmem:v12+s4+$0x0], $0xffff;
	[tilespmem:s3+$0xFFFFFFF0] =	vst v63  }
.LBB2_4:
0xc6: {  	v6 =	vld [tilespmem:s2+$0x70];
	s1 =	sadd.s32 $0x10, s1;
	[tilespmem:s3+$0x10] =	vst v0  }
0xc7: {  	s0 =	sadd.s32 $0x100, s0;
	v0 =	vld [tilespmem:s2+$0xFFFFFF90];
	p0 =	slt.u32 s1, $0xF0;
	[tilespmem:s3+$0x20] =	vst v1  }
0xc8: {  	v1 =	vld [tilespmem:s0+$0x70];
	[tilespmem:s3+$0x30] =	vst v2  }
0xc9: {  	v2 =	vld [tilespmem:s2+$0xFFFFFFA0];
	[tilespmem:s3+$0x40] =	vst v3  }
0xca: {  	v3 =	vld [tilespmem:s2+$0xFFFFFFB0];
	[tilespmem:s3+$0x50] =	vst v4  }
0xcb: {  	v4 =	vld [tilespmem:s2+$0xFFFFFFC0];
	v6 =	vmul.u32 $0x3E8, v6;
	[tilespmem:s3+$0x60] =	vst v5  }
0xcc: {  	v0 =	vmul.u32 $0x3E8, v0;
	v5 =	vld [tilespmem:s2+$0xFFFFFFD0]  }
0xcd: {  	v7 =	vld [tilespmem:s2+$0xFFFFFFE0];
	v1 =	vadd.s32 v1, v6  }
0xce: {  	v2 =	vmul.u32 $0x3E8, v2;
	v6 =	vld [tilespmem:s2+$0xFFFFFFF0]  }
0xcf: {  	v3 =	vmul.u32 $0x3E8, v3;
	v8 =	vld [tilespmem:s2+$0x0]  }
0xd0: {  	v4 =	vmul.u32 $0x3E8, v4;
	v9 =	vld [tilespmem:s2+$0x10]  }
0xd1: {  	v5 =	vmul.u32 $0x3E8, v5;
	v10 =	vld [tilespmem:s2+$0x20]  }
0xd2: {  	v7 =	vmul.u32 $0x3E8, v7;
	v1 =	vld.idx.msk [tilespmem:v1+s4+$0x0], $0xffff  }
0xd3: {  	v6 =	vmul.u32 $0x3E8, v6;
	v11 =	vld [tilespmem:s2+$0x30]  }
0xd4: {  	v8 =	vmul.u32 $0x3E8, v8;
	v12 =	vld [tilespmem:s2+$0x40]  }
0xd5: {  	v9 =	vmul.u32 $0x3E8, v9;
	v13 =	vld [tilespmem:s2+$0x50]  }
0xd6: {  	v10 =	vmul.u32 $0x3E8, v10;
	v14 =	vld [tilespmem:s2+$0x60]  }
0xd7: {  	s3 =	sadd.s32 $0x100, s3;
	v15 =	vld [tilespmem:s2+$0xFFFFFF80]  }
0xd8: {  	v16 =	vld [tilespmem:s0+$0xFFFFFF80];
	v11 =	vmul.u32 $0x3E8, v11;
	[tilespmem:s3+$0x70] =	vst v1  }
0xd9: {  	v1 =	vld [tilespmem:s0+$0xFFFFFF90];
	v12 =	vmul.u32 $0x3E8, v12  }
0xda: {  	v17 =	vld [tilespmem:s0+$0xFFFFFFA0];
	v13 =	vmul.u32 $0x3E8, v13  }
0xdb: {  	v18 =	vld [tilespmem:s0+$0xFFFFFFB0];
	v14 =	vmul.u32 $0x3E8, v14  }
0xdc: {  	v15 =	vmul.u32 $0x3E8, v15;
	v19 =	vld [tilespmem:s0+$0xFFFFFFC0]  }
0xdd: {  	v20 =	vld [tilespmem:s0+$0xFFFFFFD0]  }
0xde: {  	v15 =	vadd.s32 v16, v15;
	v0 =	vadd.s32 v1, v0;
	v1 =	vld [tilespmem:s0+$0xFFFFFFE0]  }
0xdf: {  	v2 =	vadd.s32 v17, v2;
	v16 =	vld [tilespmem:s0+$0xFFFFFFF0]  }
0xe0: {  	v3 =	vadd.s32 v18, v3;
	v17 =	vld [tilespmem:s0+$0x0]  }
0xe1: {  	v4 =	vadd.s32 v19, v4;
	v18 =	vld [tilespmem:s0+$0x10]  }
0xe2: {  	v5 =	vadd.s32 v20, v5;
	v19 =	vld [tilespmem:s0+$0x20]  }
0xe3: {  	v1 =	vadd.s32 v1, v7;
	v7 =	vld [tilespmem:s0+$0x30]  }
0xe4: {  	v6 =	vadd.s32 v16, v6;
	v16 =	vld [tilespmem:s0+$0x40]  }
0xe5: {  	v8 =	vadd.s32 v17, v8;
	v17 =	vld [tilespmem:s0+$0x50]  }
0xe6: {  	v9 =	vadd.s32 v18, v9;
	v18 =	vld [tilespmem:s0+$0x60]  }
0xe7: {  	v15 =	vld.idx.msk [tilespmem:v15+s4+$0x0], $0xffff;
	v10 =	vadd.s32 v19, v10  }
0xe8: {  	v0 =	vld.idx.msk [tilespmem:v0+s4+$0x0], $0xffff;
	v7 =	vadd.s32 v7, v11  }
0xe9: {  	v2 =	vld.idx.msk [tilespmem:v2+s4+$0x0], $0xffff;
	v11 =	vadd.s32 v16, v12  }
0xea: {  	v3 =	vld.idx.msk [tilespmem:v3+s4+$0x0], $0xffff;
	v12 =	vadd.s32 v17, v13  }
0xeb: {  	v4 =	vld.idx.msk [tilespmem:v4+s4+$0x0], $0xffff;
	v13 =	vadd.s32 v18, v14  }
0xec: {  	v5 =	vld.idx.msk [tilespmem:v5+s4+$0x0], $0xffff  }
0xed: {  	[tilespmem:s3+$0xFFFFFF80] =	vst v15;
	v14 =	vld.idx.msk [tilespmem:v1+s4+$0x0], $0xffff  }
0xee: {  	[tilespmem:s3+$0xFFFFFF90] =	vst v0;
	v6 =	vld.idx.msk [tilespmem:v6+s4+$0x0], $0xffff  }
0xef: {  	[tilespmem:s3+$0xFFFFFFA0] =	vst v2;
	v8 =	vld.idx.msk [tilespmem:v8+s4+$0x0], $0xffff  }
0xf0: {  	[tilespmem:s3+$0xFFFFFFB0] =	vst v3;
	v0 =	vld.idx.msk [tilespmem:v9+s4+$0x0], $0xffff  }
.Ltmp1:
0xf1: {  	[tilespmem:s3+$0xFFFFFFC0] =	vst v4;
	v1 =	vld.idx.msk [tilespmem:v10+s4+$0x0], $0xffff;
	(pc) =	sbr.rel @p0 .LBB2_4-.Ltmp1, $4  }
0xf2: {  	[tilespmem:s3+$0xFFFFFFD0] =	vst v5;
	v2 =	vld.idx.msk [tilespmem:v7+s4+$0x0], $0xffff  }
0xf3: {  	[tilespmem:s3+$0xFFFFFFE0] =	vst v14;
	v3 =	vld.idx.msk [tilespmem:v11+s4+$0x0], $0xffff  }
0xf4: {  	[tilespmem:s3+$0xFFFFFFF0] =	vst v6;
	v4 =	vld.idx.msk [tilespmem:v12+s4+$0x0], $0xffff  }
0xf5: {  	s2 =	sadd.s32 $0x100, s2;
	[tilespmem:s3+$0x0] =	vst v8;
	v5 =	vld.idx.msk [tilespmem:v13+s4+$0x0], $0xffff  }
0xf6: {  	[tilespmem:s3+$0x10] =	vst v0  }
0xf7: {  	[tilespmem:s3+$0x20] =	vst v1  }
0xf8: {  	[tilespmem:s3+$0x30] =	vst v2  }
0xf9: {  	[tilespmem:s3+$0x40] =	vst v3  }
0xfa: {  	[tilespmem:s3+$0x50] =	vst v4  }
0xfb: {  	[tilespmem:s3+$0x60] =	vst v5  }
0xfc: {  	[hbm4b:s11+s19] =	stream.strided.scatter [tilespmem:s28], [sflag:$0x5], $0x1000, s20, s19, $0x38;
	[tilespmem:$0x1E700] =	vst v63  }
0xfd: {  	_ =	swait.ge [sflag:s22], $0x1000  }
0xfe: {  	[sflag:s22] =	ssyncset.done $0x0  }
0xff: {  	[sflag:s22] =	ssyncadd.s32 $0xFFFFF000  }
0x100: {  	_ =	swait.ge [sflag:s22], $0x1000  }
0x101: {  	[sflag:s22] =	ssyncset.done $0x0  }
0x102: {  	[sflag:s22] =	ssyncadd.s32 $0xFFFFF000  }
0x103: {  	[tilespmem:s23], [sflag:$0x3] =	stream.linear.gather [hbm4b:s12+s4], $0x1000, $0x38;
	[tilespmem:$0x1E700] =	vst v63  }
0x104: {  	_ = 	snop  }
0x105: {  	[tilespmem:s24], [sflag:$0x3] =	stream.linear.gather [hbm4b:s13+s4], $0x1000, $0x38;
	[tilespmem:$0x1E700] =	vst v63  }
0x106: {  	_ =	swait.ge [sflag:s29], $0x1000  }
0x107: {  	[sflag:s29] =	ssyncset.done $0x0  }
0x108: {  	s1 =	simm.s32 $0x18780;
	[sflag:s29] =	ssyncadd.s32 $0xFFFFF000  }
0x109: {  	v0 =	vld [tilespmem:s1+$0x70]  }
0x10a: {  	s0 =	simm.s32 $0x19780;
	v1 =	vld [tilespmem:s1+$0xFFFFFF90]  }
0x10b: {  	v2 =	vld [tilespmem:s0+$0x70]  }
0x10c: {  	v3 =	vld [tilespmem:s1+$0xFFFFFFA0]  }
0x10d: {  	v4 =	vld [tilespmem:s1+$0xFFFFFFB0]  }
0x10e: {  	v5 =	vld [tilespmem:s1+$0xFFFFFFC0]  }
0x10f: {  	v6 =	vld [tilespmem:s1+$0xFFFFFFD0]  }
0x110: {  	v7 =	vld [tilespmem:s1+$0xFFFFFFE0]  }
0x111: {  	v8 =	vld [tilespmem:s1+$0x0]  }
0x112: {  	v9 =	vld [tilespmem:s1+$0x10]  }
0x113: {  	v10 =	vld [tilespmem:s1+$0x20]  }
0x114: {  	v11 =	vld [tilespmem:s1+$0x30]  }
0x115: {  	v12 =	vld [tilespmem:s1+$0x40]  }
0x116: {  	v13 =	vld [tilespmem:s1+$0x50]  }
0x117: {  	v14 =	vld [tilespmem:s1+$0x60]  }
0x118: {  	v15 =	vld [tilespmem:s1+$0xFFFFFF80]  }
0x119: {  	v16 =	vld [tilespmem:s0+$0xFFFFFF80]  }
0x11a: {  	v17 =	vld [tilespmem:s0+$0xFFFFFF90]  }
0x11b: {  	v18 =	vld [tilespmem:s0+$0xFFFFFFA0]  }
0x11c: {  	v19 =	vld [tilespmem:s0+$0xFFFFFFB0]  }
0x11d: {  	v20 =	vld [tilespmem:s0+$0xFFFFFFC0]  }
0x11e: {  	v21 =	vld [tilespmem:s0+$0xFFFFFFD0]  }
0x11f: {  	v22 =	vld [tilespmem:s0+$0xFFFFFFE0]  }
0x120: {  	v23 =	vld [tilespmem:s0+$0xFFFFFFF0]  }
0x121: {  	v24 =	vld [tilespmem:s0+$0x0]  }
0x122: {  	v25 =	vld [tilespmem:s0+$0x10];
	v0 =	vmul.u32 $0x3E8, v0  }
0x123: {  	v55 =	vld [tilespmem:s0+$0x20];
	v15 =	vmul.u32 $0x3E8, v15  }
0x124: {  	v56 =	vld [tilespmem:s0+$0x30];
	v1 =	vmul.u32 $0x3E8, v1;
	v0 =	vadd.s32 v2, v0  }
0x125: {  	v57 =	vld [tilespmem:s0+$0x40];
	v3 =	vmul.u32 $0x3E8, v3;
	v15 =	vadd.s32 v16, v15  }
0x126: {  	v58 =	vld [tilespmem:s0+$0x50];
	v4 =	vmul.u32 $0x3E8, v4;
	v1 =	vadd.s32 v17, v1  }
0x127: {  	v5 =	vmul.u32 $0x3E8, v5;
	v2 =	vld [tilespmem:s1+$0xFFFFFFF0];
	v3 =	vadd.s32 v18, v3  }
0x128: {  	v59 =	vld [tilespmem:s0+$0x60];
	v6 =	vmul.u32 $0x3E8, v6;
	v4 =	vadd.s32 v19, v4  }
0x129: {  	v7 =	vmul.u32 $0x3E8, v7;
	v5 =	vadd.s32 v20, v5;
	v0 =	vld.idx.msk [tilespmem:v0+s4+$0x0], $0xffff  }
0x12a: {  	v8 =	vmul.u32 $0x3E8, v8;
	v6 =	vadd.s32 v21, v6;
	v15 =	vld.idx.msk [tilespmem:v15+s4+$0x0], $0xffff  }
0x12b: {  	v10 =	vmul.u32 $0x3E8, v10;
	v7 =	vadd.s32 v22, v7;
	v1 =	vld.idx.msk [tilespmem:v1+s4+$0x0], $0xffff  }
0x12c: {  	v8 =	vadd.s32 v24, v8;
	v2 =	vmul.u32 $0x3E8, v2;
	v3 =	vld.idx.msk [tilespmem:v3+s4+$0x0], $0xffff  }
0x12d: {  	v9 =	vmul.u32 $0x3E8, v9;
	v10 =	vadd.s32 v55, v10;
	v4 =	vld.idx.msk [tilespmem:v4+s4+$0x0], $0xffff  }
0x12e: {  	s3 =	simm.s32 $0x1C780;
	v61 =	vmul.u32 $0x3E8, v14;
	v5 =	vld.idx.msk [tilespmem:v5+s4+$0x0], $0xffff;
	v2 =	vadd.s32 v23, v2  }
0x12f: {  	v11 =	vmul.u32 $0x3E8, v11;
	v9 =	vadd.s32 v25, v9;
	v6 =	vld.idx.msk [tilespmem:v6+s4+$0x0], $0xffff;
	[tilespmem:s3+$0x70] =	vst v0  }
0x130: {  	v60 =	vmul.u32 $0x3E8, v13;
	v13 =	vadd.s32 v59, v61;
	v7 =	vld.idx.msk [tilespmem:v7+s4+$0x0], $0xffff;
	v0 =	vmul.u32 $0x3E8, v12;
	[tilespmem:s3+$0xFFFFFF80] =	vst v15  }
0x131: {  	v11 =	vadd.s32 v56, v11;
	v8 =	vld.idx.msk [tilespmem:v8+s4+$0x0], $0xffff;
	[tilespmem:s3+$0xFFFFFF90] =	vst v1  }
0x132: {  	[tilespmem:s3+$0xFFFFFFA0] =	vst v3;
	v1 =	vld.idx.msk [tilespmem:v10+s4+$0x0], $0xffff;
	v62 =	vadd.s32 v57, v0  }
0x133: {  	v12 =	vadd.s32 v58, v60;
	[tilespmem:s3+$0xFFFFFFB0] =	vst v4;
	v63 =	vld.idx.msk [tilespmem:v2+s4+$0x0], $0xffff  }
0x134: {  	[tilespmem:s3+$0xFFFFFFC0] =	vst v5;
	v0 =	vld.idx.msk [tilespmem:v9+s4+$0x0], $0xffff  }
0x135: {  	[tilespmem:s3+$0xFFFFFFD0] =	vst v6;
	v5 =	vld.idx.msk [tilespmem:v13+s4+$0x0], $0xffff  }
0x136: {  	[tilespmem:s3+$0xFFFFFFE0] =	vst v7;
	v2 =	vld.idx.msk [tilespmem:v11+s4+$0x0], $0xffff  }
0x137: {  	[tilespmem:s3+$0x0] =	vst v8;
	v3 =	vld.idx.msk [tilespmem:v62+s4+$0x0], $0xffff  }
0x138: {  	s2 =	simm.s32 $0x18880;
	s1 =	simm.s32 $0x0;
	v4 =	vld.idx.msk [tilespmem:v12+s4+$0x0], $0xffff;
	[tilespmem:s3+$0xFFFFFFF0] =	vst v63  }
.LBB2_6:
0x139: {  	v6 =	vld [tilespmem:s2+$0x70];
	s1 =	sadd.s32 $0x10, s1;
	[tilespmem:s3+$0x10] =	vst v0  }
0x13a: {  	s0 =	sadd.s32 $0x100, s0;
	v0 =	vld [tilespmem:s2+$0xFFFFFF90];
	p0 =	slt.u32 s1, $0xF0;
	[tilespmem:s3+$0x20] =	vst v1  }
0x13b: {  	v1 =	vld [tilespmem:s0+$0x70];
	[tilespmem:s3+$0x30] =	vst v2  }
0x13c: {  	v2 =	vld [tilespmem:s2+$0xFFFFFFA0];
	[tilespmem:s3+$0x40] =	vst v3  }
0x13d: {  	v3 =	vld [tilespmem:s2+$0xFFFFFFB0];
	[tilespmem:s3+$0x50] =	vst v4  }
0x13e: {  	v4 =	vld [tilespmem:s2+$0xFFFFFFC0];
	v6 =	vmul.u32 $0x3E8, v6;
	[tilespmem:s3+$0x60] =	vst v5  }
0x13f: {  	v0 =	vmul.u32 $0x3E8, v0;
	v5 =	vld [tilespmem:s2+$0xFFFFFFD0]  }
0x140: {  	v7 =	vld [tilespmem:s2+$0xFFFFFFE0];
	v1 =	vadd.s32 v1, v6  }
0x141: {  	v2 =	vmul.u32 $0x3E8, v2;
	v6 =	vld [tilespmem:s2+$0xFFFFFFF0]  }
0x142: {  	v3 =	vmul.u32 $0x3E8, v3;
	v8 =	vld [tilespmem:s2+$0x0]  }
0x143: {  	v4 =	vmul.u32 $0x3E8, v4;
	v9 =	vld [tilespmem:s2+$0x10]  }
0x144: {  	v5 =	vmul.u32 $0x3E8, v5;
	v10 =	vld [tilespmem:s2+$0x20]  }
0x145: {  	v7 =	vmul.u32 $0x3E8, v7;
	v1 =	vld.idx.msk [tilespmem:v1+s4+$0x0], $0xffff  }
0x146: {  	v6 =	vmul.u32 $0x3E8, v6;
	v11 =	vld [tilespmem:s2+$0x30]  }
0x147: {  	v8 =	vmul.u32 $0x3E8, v8;
	v12 =	vld [tilespmem:s2+$0x40]  }
0x148: {  	v9 =	vmul.u32 $0x3E8, v9;
	v13 =	vld [tilespmem:s2+$0x50]  }
0x149: {  	v10 =	vmul.u32 $0x3E8, v10;
	v14 =	vld [tilespmem:s2+$0x60]  }
0x14a: {  	s3 =	sadd.s32 $0x100, s3;
	v15 =	vld [tilespmem:s2+$0xFFFFFF80]  }
0x14b: {  	v16 =	vld [tilespmem:s0+$0xFFFFFF80];
	v11 =	vmul.u32 $0x3E8, v11;
	[tilespmem:s3+$0x70] =	vst v1  }
0x14c: {  	v1 =	vld [tilespmem:s0+$0xFFFFFF90];
	v12 =	vmul.u32 $0x3E8, v12  }
0x14d: {  	v17 =	vld [tilespmem:s0+$0xFFFFFFA0];
	v13 =	vmul.u32 $0x3E8, v13  }
0x14e: {  	v18 =	vld [tilespmem:s0+$0xFFFFFFB0];
	v14 =	vmul.u32 $0x3E8, v14  }
0x14f: {  	v15 =	vmul.u32 $0x3E8, v15;
	v19 =	vld [tilespmem:s0+$0xFFFFFFC0]  }
0x150: {  	v20 =	vld [tilespmem:s0+$0xFFFFFFD0]  }
0x151: {  	v15 =	vadd.s32 v16, v15;
	v0 =	vadd.s32 v1, v0;
	v1 =	vld [tilespmem:s0+$0xFFFFFFE0]  }
0x152: {  	v2 =	vadd.s32 v17, v2;
	v16 =	vld [tilespmem:s0+$0xFFFFFFF0]  }
0x153: {  	v3 =	vadd.s32 v18, v3;
	v17 =	vld [tilespmem:s0+$0x0]  }
0x154: {  	v4 =	vadd.s32 v19, v4;
	v18 =	vld [tilespmem:s0+$0x10]  }
0x155: {  	v5 =	vadd.s32 v20, v5;
	v19 =	vld [tilespmem:s0+$0x20]  }
0x156: {  	v1 =	vadd.s32 v1, v7;
	v7 =	vld [tilespmem:s0+$0x30]  }
0x157: {  	v6 =	vadd.s32 v16, v6;
	v16 =	vld [tilespmem:s0+$0x40]  }
0x158: {  	v8 =	vadd.s32 v17, v8;
	v17 =	vld [tilespmem:s0+$0x50]  }
0x159: {  	v9 =	vadd.s32 v18, v9;
	v18 =	vld [tilespmem:s0+$0x60]  }
0x15a: {  	v15 =	vld.idx.msk [tilespmem:v15+s4+$0x0], $0xffff;
	v10 =	vadd.s32 v19, v10  }
0x15b: {  	v0 =	vld.idx.msk [tilespmem:v0+s4+$0x0], $0xffff;
	v7 =	vadd.s32 v7, v11  }
0x15c: {  	v2 =	vld.idx.msk [tilespmem:v2+s4+$0x0], $0xffff;
	v11 =	vadd.s32 v16, v12  }
0x15d: {  	v3 =	vld.idx.msk [tilespmem:v3+s4+$0x0], $0xffff;
	v12 =	vadd.s32 v17, v13  }
0x15e: {  	v4 =	vld.idx.msk [tilespmem:v4+s4+$0x0], $0xffff;
	v13 =	vadd.s32 v18, v14  }
0x15f: {  	v5 =	vld.idx.msk [tilespmem:v5+s4+$0x0], $0xffff  }
0x160: {  	[tilespmem:s3+$0xFFFFFF80] =	vst v15;
	v14 =	vld.idx.msk [tilespmem:v1+s4+$0x0], $0xffff  }
0x161: {  	[tilespmem:s3+$0xFFFFFF90] =	vst v0;
	v6 =	vld.idx.msk [tilespmem:v6+s4+$0x0], $0xffff  }
0x162: {  	[tilespmem:s3+$0xFFFFFFA0] =	vst v2;
	v8 =	vld.idx.msk [tilespmem:v8+s4+$0x0], $0xffff  }
0x163: {  	[tilespmem:s3+$0xFFFFFFB0] =	vst v3;
	v0 =	vld.idx.msk [tilespmem:v9+s4+$0x0], $0xffff  }
.Ltmp2:
0x164: {  	[tilespmem:s3+$0xFFFFFFC0] =	vst v4;
	v1 =	vld.idx.msk [tilespmem:v10+s4+$0x0], $0xffff;
	(pc) =	sbr.rel @p0 .LBB2_6-.Ltmp2, $4  }
0x165: {  	[tilespmem:s3+$0xFFFFFFD0] =	vst v5;
	v2 =	vld.idx.msk [tilespmem:v7+s4+$0x0], $0xffff  }
0x166: {  	[tilespmem:s3+$0xFFFFFFE0] =	vst v14;
	v3 =	vld.idx.msk [tilespmem:v11+s4+$0x0], $0xffff  }
0x167: {  	[tilespmem:s3+$0xFFFFFFF0] =	vst v6;
	v4 =	vld.idx.msk [tilespmem:v12+s4+$0x0], $0xffff  }
0x168: {  	s2 =	sadd.s32 $0x100, s2;
	[tilespmem:s3+$0x0] =	vst v8;
	v5 =	vld.idx.msk [tilespmem:v13+s4+$0x0], $0xffff  }
0x169: {  	[tilespmem:s3+$0x10] =	vst v0  }
0x16a: {  	[tilespmem:s3+$0x20] =	vst v1  }
0x16b: {  	[tilespmem:s3+$0x30] =	vst v2  }
0x16c: {  	[tilespmem:s3+$0x40] =	vst v3  }
0x16d: {  	[tilespmem:s3+$0x50] =	vst v4  }
0x16e: {  	[tilespmem:s3+$0x60] =	vst v5  }
0x16f: {  	[hbm4b:s14+s19] =	stream.strided.scatter [tilespmem:s25], [sflag:$0x4], $0x1000, s20, s19, $0x38;
	[tilespmem:$0x1E700] =	vst v63  }
0x170: {  	_ =	swait.ge [sflag:s26], $0x1000  }
0x171: {  	[sflag:s26] =	ssyncset.done $0x0  }
0x172: {  	[sflag:s26] =	ssyncadd.s32 $0xFFFFF000  }
0x173: {  	_ =	swait.ge [sflag:s26], $0x1000  }
0x174: {  	[sflag:s26] =	ssyncset.done $0x0  }
0x175: {  	[sflag:s26] =	ssyncadd.s32 $0xFFFFF000  }
0x176: {  	_ =	swait.ge [sflag:s30], $0x1000  }
0x177: {  	[sflag:s30] =	ssyncset.done $0x0  }
0x178: {  	s1 =	simm.s32 $0x1A780;
	[sflag:s30] =	ssyncadd.s32 $0xFFFFF000  }
0x179: {  	v0 =	vld [tilespmem:s1+$0x70]  }
0x17a: {  	s0 =	simm.s32 $0x1B780;
	v1 =	vld [tilespmem:s1+$0xFFFFFF90]  }
0x17b: {  	v2 =	vld [tilespmem:s0+$0x70]  }
0x17c: {  	v3 =	vld [tilespmem:s1+$0xFFFFFFA0]  }
0x17d: {  	v4 =	vld [tilespmem:s1+$0xFFFFFFB0]  }
0x17e: {  	v5 =	vld [tilespmem:s1+$0xFFFFFFC0]  }
0x17f: {  	v6 =	vld [tilespmem:s1+$0xFFFFFFD0]  }
0x180: {  	v7 =	vld [tilespmem:s1+$0xFFFFFFE0]  }
0x181: {  	v8 =	vld [tilespmem:s1+$0x0]  }
0x182: {  	v9 =	vld [tilespmem:s1+$0x10]  }
0x183: {  	v10 =	vld [tilespmem:s1+$0x20]  }
0x184: {  	v11 =	vld [tilespmem:s1+$0x30]  }
0x185: {  	v12 =	vld [tilespmem:s1+$0x40]  }
0x186: {  	v13 =	vld [tilespmem:s1+$0x50]  }
0x187: {  	v14 =	vld [tilespmem:s1+$0x60]  }
0x188: {  	v15 =	vld [tilespmem:s1+$0xFFFFFF80]  }
0x189: {  	v16 =	vld [tilespmem:s0+$0xFFFFFF80]  }
0x18a: {  	v17 =	vld [tilespmem:s0+$0xFFFFFF90]  }
0x18b: {  	v18 =	vld [tilespmem:s0+$0xFFFFFFA0]  }
0x18c: {  	v19 =	vld [tilespmem:s0+$0xFFFFFFB0]  }
0x18d: {  	v20 =	vld [tilespmem:s0+$0xFFFFFFC0]  }
0x18e: {  	v21 =	vld [tilespmem:s0+$0xFFFFFFD0]  }
0x18f: {  	v22 =	vld [tilespmem:s0+$0xFFFFFFE0]  }
0x190: {  	v23 =	vld [tilespmem:s0+$0xFFFFFFF0]  }
0x191: {  	v24 =	vld [tilespmem:s0+$0x0]  }
0x192: {  	v25 =	vld [tilespmem:s0+$0x10];
	v0 =	vmul.u32 $0x3E8, v0  }
0x193: {  	v55 =	vld [tilespmem:s0+$0x20];
	v15 =	vmul.u32 $0x3E8, v15  }
0x194: {  	v56 =	vld [tilespmem:s0+$0x30];
	v1 =	vmul.u32 $0x3E8, v1;
	v0 =	vadd.s32 v2, v0  }
0x195: {  	v57 =	vld [tilespmem:s0+$0x40];
	v3 =	vmul.u32 $0x3E8, v3;
	v15 =	vadd.s32 v16, v15  }
0x196: {  	v58 =	vld [tilespmem:s0+$0x50];
	v4 =	vmul.u32 $0x3E8, v4;
	v1 =	vadd.s32 v17, v1  }
0x197: {  	v5 =	vmul.u32 $0x3E8, v5;
	v2 =	vld [tilespmem:s1+$0xFFFFFFF0];
	v3 =	vadd.s32 v18, v3  }
0x198: {  	v59 =	vld [tilespmem:s0+$0x60];
	v6 =	vmul.u32 $0x3E8, v6;
	v4 =	vadd.s32 v19, v4  }
0x199: {  	v7 =	vmul.u32 $0x3E8, v7;
	v5 =	vadd.s32 v20, v5;
	v0 =	vld.idx.msk [tilespmem:v0+s4+$0x0], $0xffff  }
0x19a: {  	v8 =	vmul.u32 $0x3E8, v8;
	v6 =	vadd.s32 v21, v6;
	v15 =	vld.idx.msk [tilespmem:v15+s4+$0x0], $0xffff  }
0x19b: {  	v10 =	vmul.u32 $0x3E8, v10;
	v7 =	vadd.s32 v22, v7;
	v1 =	vld.idx.msk [tilespmem:v1+s4+$0x0], $0xffff  }
0x19c: {  	v8 =	vadd.s32 v24, v8;
	v2 =	vmul.u32 $0x3E8, v2;
	v3 =	vld.idx.msk [tilespmem:v3+s4+$0x0], $0xffff  }
0x19d: {  	v9 =	vmul.u32 $0x3E8, v9;
	v10 =	vadd.s32 v55, v10;
	v4 =	vld.idx.msk [tilespmem:v4+s4+$0x0], $0xffff  }
0x19e: {  	s3 =	simm.s32 $0x1D780;
	v61 =	vmul.u32 $0x3E8, v14;
	v5 =	vld.idx.msk [tilespmem:v5+s4+$0x0], $0xffff;
	v2 =	vadd.s32 v23, v2  }
0x19f: {  	v11 =	vmul.u32 $0x3E8, v11;
	v9 =	vadd.s32 v25, v9;
	v6 =	vld.idx.msk [tilespmem:v6+s4+$0x0], $0xffff;
	[tilespmem:s3+$0x70] =	vst v0  }
0x1a0: {  	v60 =	vmul.u32 $0x3E8, v13;
	v13 =	vadd.s32 v59, v61;
	v7 =	vld.idx.msk [tilespmem:v7+s4+$0x0], $0xffff;
	v0 =	vmul.u32 $0x3E8, v12;
	[tilespmem:s3+$0xFFFFFF80] =	vst v15  }
0x1a1: {  	v11 =	vadd.s32 v56, v11;
	v8 =	vld.idx.msk [tilespmem:v8+s4+$0x0], $0xffff;
	[tilespmem:s3+$0xFFFFFF90] =	vst v1  }
0x1a2: {  	[tilespmem:s3+$0xFFFFFFA0] =	vst v3;
	v1 =	vld.idx.msk [tilespmem:v10+s4+$0x0], $0xffff;
	v62 =	vadd.s32 v57, v0  }
0x1a3: {  	v12 =	vadd.s32 v58, v60;
	[tilespmem:s3+$0xFFFFFFB0] =	vst v4;
	v63 =	vld.idx.msk [tilespmem:v2+s4+$0x0], $0xffff  }
0x1a4: {  	[tilespmem:s3+$0xFFFFFFC0] =	vst v5;
	v0 =	vld.idx.msk [tilespmem:v9+s4+$0x0], $0xffff  }
0x1a5: {  	[tilespmem:s3+$0xFFFFFFD0] =	vst v6;
	v5 =	vld.idx.msk [tilespmem:v13+s4+$0x0], $0xffff  }
0x1a6: {  	[tilespmem:s3+$0xFFFFFFE0] =	vst v7;
	v2 =	vld.idx.msk [tilespmem:v11+s4+$0x0], $0xffff  }
0x1a7: {  	[tilespmem:s3+$0x0] =	vst v8;
	v3 =	vld.idx.msk [tilespmem:v62+s4+$0x0], $0xffff  }
0x1a8: {  	s2 =	simm.s32 $0x1A880;
	s1 =	simm.s32 $0x0;
	v4 =	vld.idx.msk [tilespmem:v12+s4+$0x0], $0xffff;
	[tilespmem:s3+$0xFFFFFFF0] =	vst v63  }
.LBB2_8:
0x1a9: {  	v6 =	vld [tilespmem:s2+$0x70];
	s1 =	sadd.s32 $0x10, s1;
	[tilespmem:s3+$0x10] =	vst v0  }
0x1aa: {  	s0 =	sadd.s32 $0x100, s0;
	v0 =	vld [tilespmem:s2+$0xFFFFFF90];
	p0 =	slt.u32 s1, $0xF0;
	[tilespmem:s3+$0x20] =	vst v1  }
0x1ab: {  	v1 =	vld [tilespmem:s0+$0x70];
	[tilespmem:s3+$0x30] =	vst v2  }
0x1ac: {  	v2 =	vld [tilespmem:s2+$0xFFFFFFA0];
	[tilespmem:s3+$0x40] =	vst v3  }
0x1ad: {  	v3 =	vld [tilespmem:s2+$0xFFFFFFB0];
	[tilespmem:s3+$0x50] =	vst v4  }
0x1ae: {  	v4 =	vld [tilespmem:s2+$0xFFFFFFC0];
	v6 =	vmul.u32 $0x3E8, v6;
	[tilespmem:s3+$0x60] =	vst v5  }
0x1af: {  	v0 =	vmul.u32 $0x3E8, v0;
	v5 =	vld [tilespmem:s2+$0xFFFFFFD0]  }
0x1b0: {  	v7 =	vld [tilespmem:s2+$0xFFFFFFE0];
	v1 =	vadd.s32 v1, v6  }
0x1b1: {  	v2 =	vmul.u32 $0x3E8, v2;
	v6 =	vld [tilespmem:s2+$0xFFFFFFF0]  }
0x1b2: {  	v3 =	vmul.u32 $0x3E8, v3;
	v8 =	vld [tilespmem:s2+$0x0]  }
0x1b3: {  	v4 =	vmul.u32 $0x3E8, v4;
	v9 =	vld [tilespmem:s2+$0x10]  }
0x1b4: {  	v5 =	vmul.u32 $0x3E8, v5;
	v10 =	vld [tilespmem:s2+$0x20]  }
0x1b5: {  	v7 =	vmul.u32 $0x3E8, v7;
	v1 =	vld.idx.msk [tilespmem:v1+s4+$0x0], $0xffff  }
0x1b6: {  	v6 =	vmul.u32 $0x3E8, v6;
	v11 =	vld [tilespmem:s2+$0x30]  }
0x1b7: {  	v8 =	vmul.u32 $0x3E8, v8;
	v12 =	vld [tilespmem:s2+$0x40]  }
0x1b8: {  	v9 =	vmul.u32 $0x3E8, v9;
	v13 =	vld [tilespmem:s2+$0x50]  }
0x1b9: {  	v10 =	vmul.u32 $0x3E8, v10;
	v14 =	vld [tilespmem:s2+$0x60]  }
0x1ba: {  	s3 =	sadd.s32 $0x100, s3;
	v15 =	vld [tilespmem:s2+$0xFFFFFF80]  }
0x1bb: {  	v16 =	vld [tilespmem:s0+$0xFFFFFF80];
	v11 =	vmul.u32 $0x3E8, v11;
	[tilespmem:s3+$0x70] =	vst v1  }
0x1bc: {  	v1 =	vld [tilespmem:s0+$0xFFFFFF90];
	v12 =	vmul.u32 $0x3E8, v12  }
0x1bd: {  	v17 =	vld [tilespmem:s0+$0xFFFFFFA0];
	v13 =	vmul.u32 $0x3E8, v13  }
0x1be: {  	v18 =	vld [tilespmem:s0+$0xFFFFFFB0];
	v14 =	vmul.u32 $0x3E8, v14  }
0x1bf: {  	v15 =	vmul.u32 $0x3E8, v15;
	v19 =	vld [tilespmem:s0+$0xFFFFFFC0]  }
0x1c0: {  	v20 =	vld [tilespmem:s0+$0xFFFFFFD0]  }
0x1c1: {  	v15 =	vadd.s32 v16, v15;
	v0 =	vadd.s32 v1, v0;
	v1 =	vld [tilespmem:s0+$0xFFFFFFE0]  }
0x1c2: {  	v2 =	vadd.s32 v17, v2;
	v16 =	vld [tilespmem:s0+$0xFFFFFFF0]  }
0x1c3: {  	v3 =	vadd.s32 v18, v3;
	v17 =	vld [tilespmem:s0+$0x0]  }
0x1c4: {  	v4 =	vadd.s32 v19, v4;
	v18 =	vld [tilespmem:s0+$0x10]  }
0x1c5: {  	v5 =	vadd.s32 v20, v5;
	v19 =	vld [tilespmem:s0+$0x20]  }
0x1c6: {  	v1 =	vadd.s32 v1, v7;
	v7 =	vld [tilespmem:s0+$0x30]  }
0x1c7: {  	v6 =	vadd.s32 v16, v6;
	v16 =	vld [tilespmem:s0+$0x40]  }
0x1c8: {  	v8 =	vadd.s32 v17, v8;
	v17 =	vld [tilespmem:s0+$0x50]  }
0x1c9: {  	v9 =	vadd.s32 v18, v9;
	v18 =	vld [tilespmem:s0+$0x60]  }
0x1ca: {  	v15 =	vld.idx.msk [tilespmem:v15+s4+$0x0], $0xffff;
	v10 =	vadd.s32 v19, v10  }
0x1cb: {  	v0 =	vld.idx.msk [tilespmem:v0+s4+$0x0], $0xffff;
	v7 =	vadd.s32 v7, v11  }
0x1cc: {  	v2 =	vld.idx.msk [tilespmem:v2+s4+$0x0], $0xffff;
	v11 =	vadd.s32 v16, v12  }
0x1cd: {  	v3 =	vld.idx.msk [tilespmem:v3+s4+$0x0], $0xffff;
	v12 =	vadd.s32 v17, v13  }
0x1ce: {  	v4 =	vld.idx.msk [tilespmem:v4+s4+$0x0], $0xffff;
	v13 =	vadd.s32 v18, v14  }
0x1cf: {  	v5 =	vld.idx.msk [tilespmem:v5+s4+$0x0], $0xffff  }
0x1d0: {  	[tilespmem:s3+$0xFFFFFF80] =	vst v15;
	v14 =	vld.idx.msk [tilespmem:v1+s4+$0x0], $0xffff  }
0x1d1: {  	[tilespmem:s3+$0xFFFFFF90] =	vst v0;
	v6 =	vld.idx.msk [tilespmem:v6+s4+$0x0], $0xffff  }
0x1d2: {  	[tilespmem:s3+$0xFFFFFFA0] =	vst v2;
	v8 =	vld.idx.msk [tilespmem:v8+s4+$0x0], $0xffff  }
0x1d3: {  	[tilespmem:s3+$0xFFFFFFB0] =	vst v3;
	v0 =	vld.idx.msk [tilespmem:v9+s4+$0x0], $0xffff  }
.Ltmp3:
0x1d4: {  	[tilespmem:s3+$0xFFFFFFC0] =	vst v4;
	v1 =	vld.idx.msk [tilespmem:v10+s4+$0x0], $0xffff;
	(pc) =	sbr.rel @p0 .LBB2_8-.Ltmp3, $4  }
0x1d5: {  	[tilespmem:s3+$0xFFFFFFD0] =	vst v5;
	v2 =	vld.idx.msk [tilespmem:v7+s4+$0x0], $0xffff  }
0x1d6: {  	[tilespmem:s3+$0xFFFFFFE0] =	vst v14;
	v3 =	vld.idx.msk [tilespmem:v11+s4+$0x0], $0xffff  }
0x1d7: {  	[tilespmem:s3+$0xFFFFFFF0] =	vst v6;
	v4 =	vld.idx.msk [tilespmem:v12+s4+$0x0], $0xffff  }
0x1d8: {  	s2 =	sadd.s32 $0x100, s2;
	[tilespmem:s3+$0x0] =	vst v8;
	v5 =	vld.idx.msk [tilespmem:v13+s4+$0x0], $0xffff  }
0x1d9: {  	[tilespmem:s3+$0x10] =	vst v0  }
0x1da: {  	[tilespmem:s3+$0x20] =	vst v1  }
0x1db: {  	[tilespmem:s3+$0x30] =	vst v2  }
0x1dc: {  	[tilespmem:s3+$0x40] =	vst v3  }
0x1dd: {  	[tilespmem:s3+$0x50] =	vst v4  }
0x1de: {  	s31 =	sadd.s32 $0x1, s31;
	[tilespmem:s3+$0x60] =	vst v5  }
0x1df: {  	[hbm4b:s15+s19] =	stream.strided.scatter [tilespmem:s28], [sflag:$0x5], $0x1000, s20, s19, $0x38;
	[tilespmem:$0x1E700] =	vst v63  }
0x1e0: {  	p0 =	sne.s32 s31, s16;
	_ =	swait.ge [sflag:s29], $0x1000  }
.Ltmp4:
0x1e1: {  	[sflag:s29] =	ssyncset.done $0x0;
	(pc) =	sbr.rel @p0 .LBB2_1-.Ltmp4, $4  }
0x1e2: {  	[sflag:s29] =	ssyncadd.s32 $0xFFFFF000  }
0x1e3: {  	_ =	swait.ge [sflag:s30], $0x1000  }
0x1e4: {  	[sflag:s30] =	ssyncset.done $0x0  }
0x1e5: {  	[sflag:s30] =	ssyncadd.s32 $0xFFFFF000  }
0x1e6: {  	_ =	sfence.sel $0x180000  }
0x1e7: {  	[bflag:$0x0] =	sbarrier.arrive $0xFFFF  }
0x1e8: {  	_ =	strace $0x90000047  }
0x1e9: {  	s0 =	stileid.u32;
	[bflag:$0x2] =	sbarrier.arrive $0xFFFF  }
0x1ea: {  	p0 =	sne.s32 s0, $0x0;
	s0 =	rddreg [dreg:$0x4]  }
0x1eb: {  	s0 =	sadd.s32 @!p0 $0x100000, s0  }
0x1ec: {  	[sflag:s0] =	ssyncadd.tile.s32 @!p0 $0x1;
	_ =	shalt  }
.Lfunc_end2:
_tile_overlayer_lowered:
.L_overlay_start_2:
0x1ed: {  	(tag) =	ssettag $0x2  }
0x1ee: {  	s0 =	rddreg [dreg:$0x0];
	s2 =	stileid.u32  }
0x1ef: {  	s1 =	rddreg [dreg:$0x1];
	p0 =	sne.s32 s2, $0x0  }
0x1f0: {  	s3 =	rddreg [dreg:$0x2];
	[bflag:$0x3] =	sbarrier.arrive $0xFFFF;
	s2 =	simm.s32 @!p0 $0x1C06  }
0x1f1: {  	[timem:s3], [sflag:s2] =	dma.local @!p0 [hbm:s0], s1  }
0x1f2: {  	s0 =	simm.s32 @!p0 $0x6  }
0x1f3: {  	_ =	swait.ge @!p0 [sflag:s0], s1  }
0x1f4: {  	s1 =	ssub.s32 @!p0 $0x0, s1;
	[sflag:s0] =	ssyncset.done @!p0 $0x0  }
0x1f5: {  	[sflag:s0] =	ssyncadd.s32 @!p0 s1  }
0x1f6: {  	[bflag:$0x3] =	sbarrier.arrive $0xFFFF  }
0x1f7: {  	_ =	shalt  }

</sc_bundles>
